<compile_context>
chip_gen: v7x
topology: tpu7x:2x2x1
jax: 0.10.2.dev20260603
libtpu: 0.0.44.dev20260713+nightly
codegen_flags: <defaults>
</compile_context>

<pallas_src>
import functools

import jax
import jax.numpy as jnp
from jax import lax
from jax.experimental import pallas as pl
from jax.experimental.pallas import tpu as pltpu
from jax.experimental.pallas import tpu_sc as plsc

_K = 100
_B = 128
_N = 100000

_NC, _NS, _L = 2, 16, 16
_NW = _NC * _NS
_ROWS_PER_TILE = _B // _NW
_FBINS = 1 << 14
_CBINS = _FBINS // _L
_UNROLL = 10
_NVEC = _N // _L

_TCCHUNK = 10000
_TCGRID = _N // _TCCHUNK


def _keys_of(v):
    s = lax.bitcast_convert_type(v, jnp.int32)
    return s ^ (lax.shift_right_arithmetic(s, 31) & jnp.int32(0x7FFFFFFF))


def _suffix_find(v, acc, k):
    suffix = lax.rev(jnp.cumsum(lax.rev(v, (0,))), (0,))
    ok = (acc + suffix) >= k
    c = jnp.sum(ok.astype(jnp.int32))
    above = acc + jnp.sum(jnp.where(ok, 0, v))
    return c - 1, above


def _walk(hist, start_chunk, k):

    def chunk_sum(j):
        off = pl.multiple_of(j * _L, _L)
        return jnp.sum(hist[pl.ds(off, _L)])

    def cond(st):
        j, acc, s = st
        return acc + s < k

    def body(st):
        j, acc, s = st
        return j - 1, acc + s, chunk_sum(j - 1)

    j, acc, _ = lax.while_loop(
        cond, body, (start_chunk, jnp.int32(0), chunk_sum(start_chunk))
    )
    v = hist[pl.ds(pl.multiple_of(j * _L, _L), _L)]
    ci, above = _suffix_find(v, acc, k)
    return j * _L + ci, above


def _sc_body(nbf_hbm, out_hbm, row_buf, fine, coarse, res_buf):
    wid = lax.axis_index("s") * _NC + lax.axis_index("c")
    lanes = lax.iota(jnp.int32, _L)
    ones = jnp.ones((_L,), jnp.int32)
    zeros16 = jnp.zeros((_L,), jnp.int32)

    def row_body(j, res_keys):
        row = wid * _ROWS_PER_TILE + j
        with jax.named_scope("dma_row"):
            pltpu.sync_copy(nbf_hbm.at[row], row_buf)

        with jax.named_scope("clear"):
            @plsc.parallel_loop(0, _FBINS // _L, unroll=8)
            def _clear_f(i):
                fine[pl.ds(pl.multiple_of(i * _L, _L), _L)] = zeros16

        with jax.named_scope("pass1"):
            @plsc.parallel_loop(
                0, _NVEC, unroll=_UNROLL, carry=jnp.zeros((_L,), jnp.int32)
            )
            def mx(i, mx):
                off = pl.multiple_of(i * _L, _L)
                key = _keys_of(row_buf[pl.ds(off, _L)])
                row_buf[pl.ds(off, _L)] = lax.bitcast_convert_type(
                    key, jnp.float32
                )
                idx = lax.shift_right_arithmetic(key, 18) + jnp.int32(8192)
                plsc.addupdate_scatter(fine, [idx], ones)
                return jnp.maximum(mx, idx)

        with jax.named_scope("scan1"):
            start = lax.shift_right_logical(jnp.max(mx), 4)
            b1, above1 = _walk(fine, start, jnp.int32(_K))
            k2 = jnp.int32(_K) - above1
            b1s = b1 - jnp.int32(8192)

        with jax.named_scope("clear2"):
            @plsc.parallel_loop(0, _FBINS // _L, unroll=8)
            def _clear_f2(i):
                fine[pl.ds(pl.multiple_of(i * _L, _L), _L)] = zeros16

            @plsc.parallel_loop(0, _CBINS // _L, unroll=8)
            def _clear_c2(i):
                coarse[pl.ds(pl.multiple_of(i * _L, _L), _L)] = zeros16

        with jax.named_scope("pass2"):
            @plsc.parallel_loop(0, _NVEC, unroll=_UNROLL)
            def _pass2(i):
                off = pl.multiple_of(i * _L, _L)
                key = lax.bitcast_convert_type(
                    row_buf[pl.ds(off, _L)], jnp.int32
                )
                m = lax.shift_right_arithmetic(key, 18) == b1s
                idx = lax.shift_right_logical(key, 4) & jnp.int32(0x3FFF)
                plsc.addupdate_scatter(fine, [idx], ones, mask=m)
                plsc.addupdate_scatter(
                    coarse, [lax.shift_right_logical(idx, 4)], ones, mask=m
                )

        with jax.named_scope("scan2"):
            cc, above_c = _walk(coarse, jnp.int32(_CBINS // _L - 1), k2)
            fv = fine[pl.ds(pl.multiple_of(cc * _L, _L), _L)]
            cf, above2 = _suffix_find(fv, above_c, k2)
            b2 = cc * _L + cf
            k3 = k2 - above2
            p28 = lax.shift_left(b1s, 14) | b2

        fine[pl.ds(0, _L)] = zeros16

        with jax.named_scope("pass3"):
            @plsc.parallel_loop(0, _NVEC, unroll=_UNROLL)
            def _pass3(i):
                off = pl.multiple_of(i * _L, _L)
                key = lax.bitcast_convert_type(
                    row_buf[pl.ds(off, _L)], jnp.int32
                )
                m = lax.shift_right_arithmetic(key, 4) == p28
                plsc.addupdate_scatter(
                    fine, [key & jnp.int32(0xF)], ones, mask=m
                )

        with jax.named_scope("scan3"):
            b3, _ = _suffix_find(fine[pl.ds(0, _L)], jnp.int32(0), k3)
            key_final = lax.shift_left(p28, 4) | b3

        return jnp.where(lanes == j, key_final, res_keys)

    res_keys = lax.fori_loop(
        0, _ROWS_PER_TILE, row_body, jnp.zeros((_L,), jnp.int32)
    )

    s = res_keys ^ (lax.shift_right_arithmetic(res_keys, 31) & jnp.int32(0x7FFFFFFF))
    res_buf[...] = lax.bitcast_convert_type(s, jnp.float32)
    pltpu.sync_copy(res_buf, out_hbm.at[wid])


@functools.cache
def _sc_thresholds_fn():
    return functools.partial(
        pl.kernel,
        out_type=jax.ShapeDtypeStruct((_NW, _L), jnp.float32),
        mesh=plsc.VectorSubcoreMesh(core_axis_name="c", subcore_axis_name="s"),
        compiler_params=pltpu.CompilerParams(needs_layout_passes=False),
        scratch_types=[
            pltpu.VMEM((_N,), jnp.float32),
            pltpu.VMEM((_FBINS,), jnp.int32),
            pltpu.VMEM((_CBINS,), jnp.int32),
            pltpu.VMEM((_L,), jnp.float32),
        ],
    )(_sc_body)


def _stats_body(nbf_ref, sim_ref, mn_ref, mx_ref, ms_ref, xs_ref):
    i = pl.program_id(0)
    nb = nbf_ref[...]
    sm = sim_ref[...]
    mn = jnp.broadcast_to(jnp.min(nb, axis=0, keepdims=True), (8, _B))
    mx = jnp.broadcast_to(jnp.max(nb, axis=0, keepdims=True), (8, _B))
    ms = jnp.broadcast_to(jnp.min(sm, axis=0, keepdims=True), (8, _B))
    xs = jnp.broadcast_to(jnp.max(sm, axis=0, keepdims=True), (8, _B))

    @pl.when(i == 0)
    def _():
        mn_ref[...] = mn
        mx_ref[...] = mx
        ms_ref[...] = ms
        xs_ref[...] = xs

    @pl.when(i > 0)
    def _():
        mn_ref[...] = jnp.minimum(mn_ref[...], mn)
        mx_ref[...] = jnp.maximum(mx_ref[...], mx)
        ms_ref[...] = jnp.minimum(ms_ref[...], ms)
        xs_ref[...] = jnp.maximum(xs_ref[...], xs)


def _thresh_body(nbf_ref, mn_ref, mx_ref, traw_ref, out_ref):
    i = pl.program_id(0)
    mn = mn_ref[0:1, :]
    den = mx_ref[0:1, :] - mn
    nb = nbf_ref[...]
    nbn = (nb - mn) / den
    cand = jnp.broadcast_to(
        jnp.max(
            jnp.where(nb <= traw_ref[0:1, :], nbn, -jnp.inf),
            axis=0,
            keepdims=True,
        ),
        (8, _B),
    )

    @pl.when(i == 0)
    def _():
        out_ref[...] = cand

    @pl.when(i > 0)
    def _():
        out_ref[...] = jnp.maximum(out_ref[...], cand)


def _out_body(nbf_ref, sim_ref, mn_ref, mx_ref, ms_ref, xs_ref, th_ref, out_ref):
    mn = mn_ref[0:1, :]
    den_n = mx_ref[0:1, :] - mn
    ms = ms_ref[0:1, :]
    den_s = xs_ref[0:1, :] - ms
    th = th_ref[0:1, :]
    nb = nbf_ref[...]
    sm = sim_ref[...]
    nbn = (nb - mn) / den_n
    smn = (sm - ms) / den_s
    out_ref[...] = nbn + jnp.where(nbn >= th, 1000.0 * (1.0 + smn), 0.0)


@jax.jit
def kernel(nbf_score, simkgc_score):
    b, n = nbf_score.shape
    nbf_t = nbf_score.T
    sim_t = simkgc_score.T

    t_tiles = _sc_thresholds_fn()(nbf_score)
    t_raw = jnp.tile(t_tiles[:, :_ROWS_PER_TILE].reshape(1, b), (8, 1))

    chunk_spec = pl.BlockSpec((_TCCHUNK, b), lambda i: (i, 0))
    small_spec = pl.BlockSpec((8, b), lambda i: (0, 0))
    s8 = jax.ShapeDtypeStruct((8, b), jnp.float32)

    mn, mx, ms, xs = pl.pallas_call(
        _stats_body,
        grid=(_TCGRID,),
        in_specs=[chunk_spec, chunk_spec],
        out_specs=[small_spec] * 4,
        out_shape=[s8] * 4,
    )(nbf_t, sim_t)

    thresh = pl.pallas_call(
        _thresh_body,
        grid=(_TCGRID,),
        in_specs=[chunk_spec] + [small_spec] * 3,
        out_specs=small_spec,
        out_shape=s8,
    )(nbf_t, mn, mx, t_raw)

    out_t = pl.pallas_call(
        _out_body,
        grid=(_TCGRID,),
        in_specs=[chunk_spec, chunk_spec] + [small_spec] * 5,
        out_specs=chunk_spec,
        out_shape=jax.ShapeDtypeStruct((n, b), jnp.float32),
    )(nbf_t, sim_t, mn, mx, ms, xs, thresh)

    return out_t.T

# --- scband reference (transcript-rebuilt; emitter-appended) ---
"""Pipeline reference for scband-selector-72576357368234 (READ-ONLY COPY).

The authoritative reference and input builder live on the scoring server;
editing this copy changes nothing except your own understanding.
"""

import jax, jax.numpy as jnp
import numpy as np


def _get_features_and_normalize(score):
    # Faithful to Selector.get_features_and_normalize in eval mode (no t_index gather).
    pre_mins = jnp.min(score, axis=1, keepdims=True)
    score = score - pre_mins
    maxs = jnp.max(score, axis=1, keepdims=True)
    score = score / maxs
    var = jnp.var(score, axis=1, ddof=1)[:, None]
    means = jnp.mean(score, axis=1, keepdims=True)
    mdiffs = 1.0 - means
    return score, (mdiffs, var)


def setup_inputs(seed: int = 0) -> dict:
    key = jax.random.key(seed)
    k1, k2 = jax.random.split(key)
    B, N = 128, 100000
    nbf_score = jax.random.normal(k1, (B, N), dtype=jnp.float32)
    simkgc_score = jax.random.normal(k2, (B, N), dtype=jnp.float32)
    return {"nbf_score": nbf_score, "simkgc_score": simkgc_score}


def reference(nbf_score, simkgc_score):
    # Selector.forward with cfg.model.method == 'rerank', cfg.model.rerank == 'forward',
    # need_nbf = need_sim = True, eval mode. Raw scores from the nbf/simkgc submodules
    # are taken as inputs; the rest of the math is reproduced exactly.
    nbf_n, _feat_nbf = _get_features_and_normalize(nbf_score)
    sim_n, _feat_sim = _get_features_and_normalize(simkgc_score)
    # vals = torch.topk(nbf_score, 100, sorted=True).values; threshold = 100th value
    vals = jax.lax.top_k(nbf_n, 100)[0]
    thresh = vals[:, -1:]
    mask = (nbf_n >= thresh).astype(nbf_n.dtype)
    return nbf_n + mask * 1000.0 * (1.0 + sim_n)

if __name__ == "__main__":
    import jax
    _d = setup_inputs()
    print(jax.jit(kernel)(*tuple(_d.values())))

</pallas_src>

<mosaic_0001>
#map = affine_map<(d0, d1) -> (0, 0)>
module attributes {stable_mosaic.version = 14 : i64} {
  func.func @_sc_body(%arg0: i32, %arg1: i32, %arg2: memref<128x100000xf32, #tpu.memory_space<hbm>>, %arg3: memref<32x16xf32, #tpu.memory_space<hbm>>, %arg4: memref<100000xf32, #tpu.memory_space<vmem>>, %arg5: memref<16384xi32, #tpu.memory_space<vmem>>, %arg6: memref<1024xi32, #tpu.memory_space<vmem>>, %arg7: memref<16xf32, #tpu.memory_space<vmem>>) attributes {dimension_semantics = [#tpu.dimension_semantics<core_parallel>, #tpu.dimension_semantics<subcore_parallel>], iteration_bounds = array<i64: 2, 16>, scalar_prefetch = 0 : i64, scratch_operands = 4 : i64, tpu.core_type = #tpu.core_type<sc_vector_subcore>, window_params = [{transform_indices = #map}, {transform_indices = #map}]} {
    %mul3A = arith.constant 2 : i32
    %mul3A_0 = arith.muli %arg1, %mul3A : i32
    %add3A = arith.addi %mul3A_0, %arg0 : i32
    %iota3A = tpu.iota {dimensions = array<i32: 0>} : vector<16xi32>
    %broadcast_in_dim3A = arith.constant 1 : i32
    %broadcast_in_dim3A_1 = vector.broadcast %broadcast_in_dim3A : i32 to vector<16xi32>
    %broadcast_in_dim3A_2 = arith.constant 0 : i32
    %broadcast_in_dim3A_3 = vector.broadcast %broadcast_in_dim3A_2 : i32 to vector<16xi32>
    %broadcast_in_dim3A_4 = arith.constant 0 : i32
    %broadcast_in_dim3A_5 = vector.broadcast %broadcast_in_dim3A_4 : i32 to vector<16xi32>
    %scan3A = arith.constant 0 : i32
    %scan3A_6 = arith.constant 4 : i32
    %scan3A_7 = arith.addi %scan3A, %scan3A_6 : i32
    %scan3A_8 = arith.constant 1 : i32
    %scan3A_9 = scf.for %scan3A_16 = %scan3A to %scan3A_7 step %scan3A_8 iter_args(%scan3A_17 = %broadcast_in_dim3A_5) -> (vector<16xi32>)  : i32 {
      %mul3A_18 = arith.constant 4 : i32
      %mul3A_19 = arith.muli %add3A, %mul3A_18 : i32
      %add3A_20 = arith.addi %mul3A_19, %scan3A_16 : i32
      "tpu.trace_start"() <{level = 10 : i32, message = "dma_row"}> : () -> ()
      "tpu.region"() ({
        %run_scoped3A = tpu.sem_alloc : memref<!tpu.dma_semaphore, #tpu.memory_space<semaphore_mem>>
        %dma_start3A = arith.constant 0 : i32
        %dma_start3A_234 = tpu.memref_slice %arg2[%add3A_20, %dma_start3A] : memref<128x100000xf32, #tpu.memory_space<hbm>> -> memref<1x100000xf32, #tpu.memory_space<hbm>>
        %dma_start3A_235 = tpu.memref_squeeze %dma_start3A_234 : memref<1x100000xf32, #tpu.memory_space<hbm>> -> memref<100000xf32, #tpu.memory_space<hbm>>
        %dma_start3A_236 = arith.constant 0 : i32
        %dma_start3A_237 = tpu.memref_slice %arg2[%add3A_20, %dma_start3A_236] : memref<128x100000xf32, #tpu.memory_space<hbm>> -> memref<1x100000xf32, #tpu.memory_space<hbm>>
        %dma_start3A_238 = tpu.memref_squeeze %dma_start3A_237 : memref<1x100000xf32, #tpu.memory_space<hbm>> -> memref<100000xf32, #tpu.memory_space<hbm>>
        tpu.enqueue_dma source(%dma_start3A_238 : memref<100000xf32, #tpu.memory_space<hbm>>) target(%arg4 : memref<100000xf32, #tpu.memory_space<vmem>>) target_semaphore(%run_scoped3A : memref<!tpu.dma_semaphore, #tpu.memory_space<semaphore_mem>>)
        %dma_wait3A = arith.constant 0 : i32
        %dma_wait3A_239 = tpu.memref_slice %arg2[%add3A_20, %dma_wait3A] : memref<128x100000xf32, #tpu.memory_space<hbm>> -> memref<1x100000xf32, #tpu.memory_space<hbm>>
        %dma_wait3A_240 = tpu.memref_squeeze %dma_wait3A_239 : memref<1x100000xf32, #tpu.memory_space<hbm>> -> memref<100000xf32, #tpu.memory_space<hbm>>
        %dma_wait3A_241 = arith.constant 0 : i32
        %dma_wait3A_242 = tpu.memref_slice %arg2[%add3A_20, %dma_wait3A_241] : memref<128x100000xf32, #tpu.memory_space<hbm>> -> memref<1x100000xf32, #tpu.memory_space<hbm>>
        %dma_wait3A_243 = tpu.memref_squeeze %dma_wait3A_242 : memref<1x100000xf32, #tpu.memory_space<hbm>> -> memref<100000xf32, #tpu.memory_space<hbm>>
        tpu.wait_dma2 semaphore(%run_scoped3A : memref<!tpu.dma_semaphore, #tpu.memory_space<semaphore_mem>>) src(%dma_wait3A_243 : memref<100000xf32, #tpu.memory_space<hbm>>) dst(%arg4 : memref<100000xf32, #tpu.memory_space<vmem>>)
        tpu.yield
      }) : () -> ()
      %parallel_loop3A = arith.constant 0 : i32
      %parallel_loop3A_21 = arith.constant 1024 : i32
      %parallel_loop3A_22 = arith.constant 1 : i32
      "tpu.trace_stop"() : () -> ()
      "tpu.trace_start"() <{level = 10 : i32, message = "clear"}> : () -> ()
      scf.for %parallel_loop3A_234 = %parallel_loop3A to %parallel_loop3A_21 step %parallel_loop3A_22  : i32 {
        %parallel_loop3A_235 = arith.constant 16 : i32
        %parallel_loop3A_236 = arith.muli %parallel_loop3A_234, %parallel_loop3A_235 : i32
        %parallel_loop3A_237 = tpu.assume_multiple %parallel_loop3A_236, 16 : i32
        %parallel_loop3A_238 = arith.index_cast %parallel_loop3A_237 : i32 to index
        %parallel_loop3A_239 = tpu.vector_load %arg5[%parallel_loop3A_238] {strides = array<i32>} : memref<16384xi32, #tpu.memory_space<vmem>>, vector<16xi32>,
        tpu.vector_store %arg5[%parallel_loop3A_238], %broadcast_in_dim3A_3 {strides = array<i32>} : memref<16384xi32, #tpu.memory_space<vmem>>, vector<16xi32>,
      } {sc.loop_unroll_factor = 8 : i64, sc.parallel_access}
      %broadcast_in_dim3A_23 = arith.constant 0 : i32
      "tpu.trace_stop"() : () -> ()
      "tpu.trace_start"() <{level = 10 : i32, message = "pass1"}> : () -> ()
      %broadcast_in_dim3A_24 = vector.broadcast %broadcast_in_dim3A_23 : i32 to vector<16xi32>
      %parallel_loop3A_25 = arith.constant 0 : i32
      %parallel_loop3A_26 = arith.constant 6250 : i32
      %parallel_loop3A_27 = arith.constant 1 : i32
      %parallel_loop3A_28 = scf.for %parallel_loop3A_234 = %parallel_loop3A_25 to %parallel_loop3A_26 step %parallel_loop3A_27 iter_args(%parallel_loop3A_235 = %broadcast_in_dim3A_24) -> (vector<16xi32>)  : i32 {
        %parallel_loop3A_236 = arith.constant 16 : i32
        %parallel_loop3A_237 = arith.muli %parallel_loop3A_234, %parallel_loop3A_236 : i32
        %parallel_loop3A_238 = tpu.assume_multiple %parallel_loop3A_237, 16 : i32
        %parallel_loop3A_239 = arith.index_cast %parallel_loop3A_238 : i32 to index
        %parallel_loop3A_240 = tpu.vector_load %arg4[%parallel_loop3A_239] {strides = array<i32>} : memref<100000xf32, #tpu.memory_space<vmem>>, vector<16xf32>,
        %parallel_loop3A_241 = tpu.bitcast %parallel_loop3A_240 : vector<16xf32> -> vector<16xi32>
        %parallel_loop3A_242 = arith.constant 31 : i32
        %parallel_loop3A_243 = vector.broadcast %parallel_loop3A_242 : i32 to vector<16xi32>
        %parallel_loop3A_244 = arith.shrsi %parallel_loop3A_241, %parallel_loop3A_243 : vector<16xi32>
        %parallel_loop3A_245 = arith.constant 2147483647 : i32
        %parallel_loop3A_246 = vector.broadcast %parallel_loop3A_245 : i32 to vector<16xi32>
        %parallel_loop3A_247 = arith.andi %parallel_loop3A_244, %parallel_loop3A_246 : vector<16xi32>
        %parallel_loop3A_248 = arith.xori %parallel_loop3A_241, %parallel_loop3A_247 : vector<16xi32>
        %parallel_loop3A_249 = tpu.bitcast %parallel_loop3A_248 : vector<16xi32> -> vector<16xf32>
        %parallel_loop3A_250 = arith.index_cast %parallel_loop3A_238 : i32 to index
        %parallel_loop3A_251 = tpu.vector_load %arg4[%parallel_loop3A_250] {strides = array<i32>} : memref<100000xf32, #tpu.memory_space<vmem>>, vector<16xf32>,
        tpu.vector_store %arg4[%parallel_loop3A_250], %parallel_loop3A_249 {strides = array<i32>} : memref<100000xf32, #tpu.memory_space<vmem>>, vector<16xf32>,
        %parallel_loop3A_252 = arith.constant 18 : i32
        %parallel_loop3A_253 = vector.broadcast %parallel_loop3A_252 : i32 to vector<16xi32>
        %parallel_loop3A_254 = arith.shrsi %parallel_loop3A_248, %parallel_loop3A_253 : vector<16xi32>
        %parallel_loop3A_255 = arith.constant 8192 : i32
        %parallel_loop3A_256 = vector.broadcast %parallel_loop3A_255 : i32 to vector<16xi32>
        %parallel_loop3A_257 = arith.addi %parallel_loop3A_254, %parallel_loop3A_256 : vector<16xi32>
        tpu.vector_store_idx %arg5[%parallel_loop3A_257], %broadcast_in_dim3A_1 {add = true} : memref<16384xi32, #tpu.memory_space<vmem>>[vector<16xi32>], vector<16xi32>,
        %parallel_loop3A_258 = arith.maxsi %parallel_loop3A_235, %parallel_loop3A_257 : vector<16xi32>
        scf.yield %parallel_loop3A_258 : vector<16xi32>
      } {sc.loop_unroll_factor = 10 : i64, sc.parallel_access}
      "tpu.trace_stop"() : () -> ()
      "tpu.trace_start"() <{level = 10 : i32, message = "scan1"}> : () -> ()
      %reduce_max3A = arith.constant true
      %reduce_max3A_29 = vector.broadcast %reduce_max3A : i1 to vector<16xi1>
      %reduce_max3A_30 = arith.constant -2147483648 : i32
      %reduce_max3A_31 = vector.broadcast %reduce_max3A_30 : i32 to vector<16xi32>
      %reduce_max3A_32 = arith.xori %parallel_loop3A_28, %reduce_max3A_31 : vector<16xi32>
      %reduce_max3A_33 = tpu.scan <max>, %reduce_max3A_32 masked %reduce_max3A_29 : vector<16xi32>, vector<16xi1> -> vector<16xi32>
      %reduce_max3A_34 = arith.xori %reduce_max3A_33, %reduce_max3A_31 : vector<16xi32>
      %reduce_max3A_35 = vector.extract %reduce_max3A_34[15] : i32 from vector<16xi32>
      %shift_right_logical3A = arith.constant 4 : i32
      %shift_right_logical3A_36 = arith.shrui %reduce_max3A_35, %shift_right_logical3A : i32
      %mul3A_37 = arith.constant 16 : i32
      %mul3A_38 = arith.muli %shift_right_logical3A_36, %mul3A_37 : i32
      %multiple_of3A = tpu.assume_multiple %mul3A_38, 16 : i32
      %get3A = arith.index_cast %multiple_of3A : i32 to index
      %get3A_39 = tpu.vector_load %arg5[%get3A] {strides = array<i32>} : memref<16384xi32, #tpu.memory_space<vmem>>, vector<16xi32>,
      %reduce_sum3A = arith.constant true
      %reduce_sum3A_40 = vector.broadcast %reduce_sum3A : i1 to vector<16xi1>
      %reduce_sum3A_41 = tpu.scan <sum>, %get3A_39 masked %reduce_sum3A_40 : vector<16xi32>, vector<16xi1> -> vector<16xi32>
      %reduce_sum3A_42 = vector.extract %reduce_sum3A_41[15] : i32 from vector<16xi32>
      %while3A = arith.constant 100 : i32
      %while3A_43 = arith.constant 0 : i32
      %while3A_44:3 = scf.while (%while3A_234 = %shift_right_logical3A_36, %while3A_235 = %while3A_43, %while3A_236 = %reduce_sum3A_42) : (i32, i32, i32) -> (i32, i32, i32) {
        %add3A_237 = arith.addi %while3A_235, %while3A_236 : i32
        %lt3A = arith.cmpi slt, %add3A_237, %while3A : i32
        scf.condition(%lt3A) %while3A_234, %while3A_235, %while3A_236 : i32, i32, i32
      } do {
      ^bb0(%while3A_234: i32, %while3A_235: i32, %while3A_236: i32):
        %sub3A_237 = arith.constant 1 : i32
        %sub3A_238 = arith.subi %while3A_234, %sub3A_237 : i32
        %add3A_239 = arith.addi %while3A_235, %while3A_236 : i32
        %sub3A_240 = arith.constant 1 : i32
        %sub3A_241 = arith.subi %while3A_234, %sub3A_240 : i32
        %mul3A_242 = arith.constant 16 : i32
        %mul3A_243 = arith.muli %sub3A_241, %mul3A_242 : i32
        %multiple_of3A_244 = tpu.assume_multiple %mul3A_243, 16 : i32
        %get3A_245 = arith.index_cast %multiple_of3A_244 : i32 to index
        %get3A_246 = tpu.vector_load %arg5[%get3A_245] {strides = array<i32>} : memref<16384xi32, #tpu.memory_space<vmem>>, vector<16xi32>,
        %reduce_sum3A_247 = arith.constant true
        %reduce_sum3A_248 = vector.broadcast %reduce_sum3A_247 : i1 to vector<16xi1>
        %reduce_sum3A_249 = tpu.scan <sum>, %get3A_246 masked %reduce_sum3A_248 : vector<16xi32>, vector<16xi1> -> vector<16xi32>
        %reduce_sum3A_250 = vector.extract %reduce_sum3A_249[15] : i32 from vector<16xi32>
        scf.yield %sub3A_238, %add3A_239, %reduce_sum3A_250 : i32, i32, i32
      }
      %mul3A_45 = arith.constant 16 : i32
      %mul3A_46 = arith.muli %while3A_44#0, %mul3A_45 : i32
      %multiple_of3A_47 = tpu.assume_multiple %mul3A_46, 16 : i32
      %get3A_48 = arith.index_cast %multiple_of3A_47 : i32 to index
      %get3A_49 = tpu.vector_load %arg5[%get3A_48] {strides = array<i32>} : memref<16384xi32, #tpu.memory_space<vmem>>, vector<16xi32>,
      %rev3A = arith.constant 15 : i32
      %rev3A_50 = vector.broadcast %rev3A : i32 to vector<16xi32>
      %rev3A_51 = tpu.iota {dimensions = array<i32: 0>} : vector<16xi32>
      %rev3A_52 = arith.subi %rev3A_50, %rev3A_51 : vector<16xi32>
      %rev3A_53 = tpu.dynamic_gather %get3A_49[%rev3A_52] in [0] : vector<16xi32>, vector<16xi32> -> vector<16xi32>
      %cumsum3A = arith.constant true
      %cumsum3A_54 = vector.broadcast %cumsum3A : i1 to vector<16xi1>
      %cumsum3A_55 = tpu.scan <sum>, %rev3A_53 masked %cumsum3A_54 : vector<16xi32>, vector<16xi1> -> vector<16xi32>
      %rev3A_56 = arith.constant 15 : i32
      %rev3A_57 = vector.broadcast %rev3A_56 : i32 to vector<16xi32>
      %rev3A_58 = tpu.iota {dimensions = array<i32: 0>} : vector<16xi32>
      %rev3A_59 = arith.subi %rev3A_57, %rev3A_58 : vector<16xi32>
      %rev3A_60 = tpu.dynamic_gather %cumsum3A_55[%rev3A_59] in [0] : vector<16xi32>, vector<16xi32> -> vector<16xi32>
      %add3A_61 = vector.broadcast %while3A_44#1 : i32 to vector<16xi32>
      %add3A_62 = arith.addi %add3A_61, %rev3A_60 : vector<16xi32>
      %ge3A = arith.constant 100 : i32
      %ge3A_63 = vector.broadcast %ge3A : i32 to vector<16xi32>
      %ge3A_64 = arith.cmpi sge, %add3A_62, %ge3A_63 : vector<16xi32>
      %convert_element_type3A = arith.extui %ge3A_64 : vector<16xi1> to vector<16xi32>
      %reduce_sum3A_65 = arith.constant true
      %reduce_sum3A_66 = vector.broadcast %reduce_sum3A_65 : i1 to vector<16xi1>
      %reduce_sum3A_67 = tpu.scan <sum>, %convert_element_type3A masked %reduce_sum3A_66 : vector<16xi32>, vector<16xi1> -> vector<16xi32>
      %reduce_sum3A_68 = vector.extract %reduce_sum3A_67[15] : i32 from vector<16xi32>
      %jit3A = arith.constant 0 : i32
      %broadcast_in_dim3A_69 = vector.broadcast %jit3A : i32 to vector<16xi32>
      %select_n3A = arith.select %ge3A_64, %broadcast_in_dim3A_69, %get3A_49 : vector<16xi1>, vector<16xi32>
      %reduce_sum3A_70 = arith.constant true
      %reduce_sum3A_71 = vector.broadcast %reduce_sum3A_70 : i1 to vector<16xi1>
      %reduce_sum3A_72 = tpu.scan <sum>, %select_n3A masked %reduce_sum3A_71 : vector<16xi32>, vector<16xi1> -> vector<16xi32>
      %reduce_sum3A_73 = vector.extract %reduce_sum3A_72[15] : i32 from vector<16xi32>
      %add3A_74 = arith.addi %while3A_44#1, %reduce_sum3A_73 : i32
      %sub3A = arith.constant 1 : i32
      %sub3A_75 = arith.subi %reduce_sum3A_68, %sub3A : i32
      %mul3A_76 = arith.constant 16 : i32
      %mul3A_77 = arith.muli %while3A_44#0, %mul3A_76 : i32
      %add3A_78 = arith.addi %mul3A_77, %sub3A_75 : i32
      %sub3A_79 = arith.constant 100 : i32
      %sub3A_80 = arith.subi %sub3A_79, %add3A_74 : i32
      %sub3A_81 = arith.constant 8192 : i32
      %sub3A_82 = arith.subi %add3A_78, %sub3A_81 : i32
      %parallel_loop3A_83 = arith.constant 0 : i32
      %parallel_loop3A_84 = arith.constant 1024 : i32
      %parallel_loop3A_85 = arith.constant 1 : i32
      "tpu.trace_stop"() : () -> ()
      "tpu.trace_start"() <{level = 10 : i32, message = "clear2"}> : () -> ()
      scf.for %parallel_loop3A_234 = %parallel_loop3A_83 to %parallel_loop3A_84 step %parallel_loop3A_85  : i32 {
        %parallel_loop3A_235 = arith.constant 16 : i32
        %parallel_loop3A_236 = arith.muli %parallel_loop3A_234, %parallel_loop3A_235 : i32
        %parallel_loop3A_237 = tpu.assume_multiple %parallel_loop3A_236, 16 : i32
        %parallel_loop3A_238 = arith.index_cast %parallel_loop3A_237 : i32 to index
        %parallel_loop3A_239 = tpu.vector_load %arg5[%parallel_loop3A_238] {strides = array<i32>} : memref<16384xi32, #tpu.memory_space<vmem>>, vector<16xi32>,
        tpu.vector_store %arg5[%parallel_loop3A_238], %broadcast_in_dim3A_3 {strides = array<i32>} : memref<16384xi32, #tpu.memory_space<vmem>>, vector<16xi32>,
      } {sc.loop_unroll_factor = 8 : i64, sc.parallel_access}
      %parallel_loop3A_86 = arith.constant 0 : i32
      %parallel_loop3A_87 = arith.constant 64 : i32
      %parallel_loop3A_88 = arith.constant 1 : i32
      scf.for %parallel_loop3A_234 = %parallel_loop3A_86 to %parallel_loop3A_87 step %parallel_loop3A_88  : i32 {
        %parallel_loop3A_235 = arith.constant 16 : i32
        %parallel_loop3A_236 = arith.muli %parallel_loop3A_234, %parallel_loop3A_235 : i32
        %parallel_loop3A_237 = tpu.assume_multiple %parallel_loop3A_236, 16 : i32
        %parallel_loop3A_238 = arith.index_cast %parallel_loop3A_237 : i32 to index
        %parallel_loop3A_239 = tpu.vector_load %arg6[%parallel_loop3A_238] {strides = array<i32>} : memref<1024xi32, #tpu.memory_space<vmem>>, vector<16xi32>,
        tpu.vector_store %arg6[%parallel_loop3A_238], %broadcast_in_dim3A_3 {strides = array<i32>} : memref<1024xi32, #tpu.memory_space<vmem>>, vector<16xi32>,
      } {sc.loop_unroll_factor = 8 : i64, sc.parallel_access}
      %parallel_loop3A_89 = arith.constant 0 : i32
      %parallel_loop3A_90 = arith.constant 6250 : i32
      %parallel_loop3A_91 = arith.constant 1 : i32
      "tpu.trace_stop"() : () -> ()
      "tpu.trace_start"() <{level = 10 : i32, message = "pass2"}> : () -> ()
      scf.for %parallel_loop3A_234 = %parallel_loop3A_89 to %parallel_loop3A_90 step %parallel_loop3A_91  : i32 {
        %parallel_loop3A_235 = arith.constant 16 : i32
        %parallel_loop3A_236 = arith.muli %parallel_loop3A_234, %parallel_loop3A_235 : i32
        %parallel_loop3A_237 = tpu.assume_multiple %parallel_loop3A_236, 16 : i32
        %parallel_loop3A_238 = arith.index_cast %parallel_loop3A_237 : i32 to index
        %parallel_loop3A_239 = tpu.vector_load %arg4[%parallel_loop3A_238] {strides = array<i32>} : memref<100000xf32, #tpu.memory_space<vmem>>, vector<16xf32>,
        %parallel_loop3A_240 = tpu.bitcast %parallel_loop3A_239 : vector<16xf32> -> vector<16xi32>
        %parallel_loop3A_241 = arith.constant 18 : i32
        %parallel_loop3A_242 = vector.broadcast %parallel_loop3A_241 : i32 to vector<16xi32>
        %parallel_loop3A_243 = arith.shrsi %parallel_loop3A_240, %parallel_loop3A_242 : vector<16xi32>
        %parallel_loop3A_244 = vector.broadcast %sub3A_82 : i32 to vector<16xi32>
        %parallel_loop3A_245 = arith.cmpi eq, %parallel_loop3A_243, %parallel_loop3A_244 : vector<16xi32>
        %parallel_loop3A_246 = arith.constant 4 : i32
        %parallel_loop3A_247 = vector.broadcast %parallel_loop3A_246 : i32 to vector<16xi32>
        %parallel_loop3A_248 = arith.shrui %parallel_loop3A_240, %parallel_loop3A_247 : vector<16xi32>
        %parallel_loop3A_249 = arith.constant 16383 : i32
        %parallel_loop3A_250 = vector.broadcast %parallel_loop3A_249 : i32 to vector<16xi32>
        %parallel_loop3A_251 = arith.andi %parallel_loop3A_248, %parallel_loop3A_250 : vector<16xi32>
        tpu.vector_store_idx %arg5[%parallel_loop3A_251], %broadcast_in_dim3A_1 masked %parallel_loop3A_245 {add = true} : memref<16384xi32, #tpu.memory_space<vmem>>[vector<16xi32>], vector<16xi32>, vector<16xi1>
        %parallel_loop3A_252 = arith.constant 4 : i32
        %parallel_loop3A_253 = vector.broadcast %parallel_loop3A_252 : i32 to vector<16xi32>
        %parallel_loop3A_254 = arith.shrui %parallel_loop3A_251, %parallel_loop3A_253 : vector<16xi32>
        tpu.vector_store_idx %arg6[%parallel_loop3A_254], %broadcast_in_dim3A_1 masked %parallel_loop3A_245 {add = true} : memref<1024xi32, #tpu.memory_space<vmem>>[vector<16xi32>], vector<16xi32>, vector<16xi1>
      } {sc.loop_unroll_factor = 10 : i64, sc.parallel_access}
      "tpu.trace_stop"() : () -> ()
      "tpu.trace_start"() <{level = 10 : i32, message = "scan2"}> : () -> ()
      %mul3A_92 = arith.constant 63 : i32
      %mul3A_93 = arith.constant 16 : i32
      %mul3A_94 = arith.muli %mul3A_92, %mul3A_93 : i32
      %multiple_of3A_95 = tpu.assume_multiple %mul3A_94, 16 : i32
      %get3A_96 = arith.index_cast %multiple_of3A_95 : i32 to index
      %get3A_97 = tpu.vector_load %arg6[%get3A_96] {strides = array<i32>} : memref<1024xi32, #tpu.memory_space<vmem>>, vector<16xi32>,
      %reduce_sum3A_98 = arith.constant true
      %reduce_sum3A_99 = vector.broadcast %reduce_sum3A_98 : i1 to vector<16xi1>
      %reduce_sum3A_100 = tpu.scan <sum>, %get3A_97 masked %reduce_sum3A_99 : vector<16xi32>, vector<16xi1> -> vector<16xi32>
      %reduce_sum3A_101 = vector.extract %reduce_sum3A_100[15] : i32 from vector<16xi32>
      %while3A_102 = arith.constant 63 : i32
      %while3A_103 = arith.constant 0 : i32
      %while3A_104:3 = scf.while (%while3A_234 = %while3A_102, %while3A_235 = %while3A_103, %while3A_236 = %reduce_sum3A_101) : (i32, i32, i32) -> (i32, i32, i32) {
        %add3A_237 = arith.addi %while3A_235, %while3A_236 : i32
        %lt3A = arith.cmpi slt, %add3A_237, %sub3A_80 : i32
        scf.condition(%lt3A) %while3A_234, %while3A_235, %while3A_236 : i32, i32, i32
      } do {
      ^bb0(%while3A_234: i32, %while3A_235: i32, %while3A_236: i32):
        %sub3A_237 = arith.constant 1 : i32
        %sub3A_238 = arith.subi %while3A_234, %sub3A_237 : i32
        %add3A_239 = arith.addi %while3A_235, %while3A_236 : i32
        %sub3A_240 = arith.constant 1 : i32
        %sub3A_241 = arith.subi %while3A_234, %sub3A_240 : i32
        %mul3A_242 = arith.constant 16 : i32
        %mul3A_243 = arith.muli %sub3A_241, %mul3A_242 : i32
        %multiple_of3A_244 = tpu.assume_multiple %mul3A_243, 16 : i32
        %get3A_245 = arith.index_cast %multiple_of3A_244 : i32 to index
        %get3A_246 = tpu.vector_load %arg6[%get3A_245] {strides = array<i32>} : memref<1024xi32, #tpu.memory_space<vmem>>, vector<16xi32>,
        %reduce_sum3A_247 = arith.constant true
        %reduce_sum3A_248 = vector.broadcast %reduce_sum3A_247 : i1 to vector<16xi1>
        %reduce_sum3A_249 = tpu.scan <sum>, %get3A_246 masked %reduce_sum3A_248 : vector<16xi32>, vector<16xi1> -> vector<16xi32>
        %reduce_sum3A_250 = vector.extract %reduce_sum3A_249[15] : i32 from vector<16xi32>
        scf.yield %sub3A_238, %add3A_239, %reduce_sum3A_250 : i32, i32, i32
      }
      %mul3A_105 = arith.constant 16 : i32
      %mul3A_106 = arith.muli %while3A_104#0, %mul3A_105 : i32
      %multiple_of3A_107 = tpu.assume_multiple %mul3A_106, 16 : i32
      %get3A_108 = arith.index_cast %multiple_of3A_107 : i32 to index
      %get3A_109 = tpu.vector_load %arg6[%get3A_108] {strides = array<i32>} : memref<1024xi32, #tpu.memory_space<vmem>>, vector<16xi32>,
      %rev3A_110 = arith.constant 15 : i32
      %rev3A_111 = vector.broadcast %rev3A_110 : i32 to vector<16xi32>
      %rev3A_112 = tpu.iota {dimensions = array<i32: 0>} : vector<16xi32>
      %rev3A_113 = arith.subi %rev3A_111, %rev3A_112 : vector<16xi32>
      %rev3A_114 = tpu.dynamic_gather %get3A_109[%rev3A_113] in [0] : vector<16xi32>, vector<16xi32> -> vector<16xi32>
      %cumsum3A_115 = arith.constant true
      %cumsum3A_116 = vector.broadcast %cumsum3A_115 : i1 to vector<16xi1>
      %cumsum3A_117 = tpu.scan <sum>, %rev3A_114 masked %cumsum3A_116 : vector<16xi32>, vector<16xi1> -> vector<16xi32>
      %rev3A_118 = arith.constant 15 : i32
      %rev3A_119 = vector.broadcast %rev3A_118 : i32 to vector<16xi32>
      %rev3A_120 = tpu.iota {dimensions = array<i32: 0>} : vector<16xi32>
      %rev3A_121 = arith.subi %rev3A_119, %rev3A_120 : vector<16xi32>
      %rev3A_122 = tpu.dynamic_gather %cumsum3A_117[%rev3A_121] in [0] : vector<16xi32>, vector<16xi32> -> vector<16xi32>
      %add3A_123 = vector.broadcast %while3A_104#1 : i32 to vector<16xi32>
      %add3A_124 = arith.addi %add3A_123, %rev3A_122 : vector<16xi32>
      %ge3A_125 = vector.broadcast %sub3A_80 : i32 to vector<16xi32>
      %ge3A_126 = arith.cmpi sge, %add3A_124, %ge3A_125 : vector<16xi32>
      %convert_element_type3A_127 = arith.extui %ge3A_126 : vector<16xi1> to vector<16xi32>
      %reduce_sum3A_128 = arith.constant true
      %reduce_sum3A_129 = vector.broadcast %reduce_sum3A_128 : i1 to vector<16xi1>
      %reduce_sum3A_130 = tpu.scan <sum>, %convert_element_type3A_127 masked %reduce_sum3A_129 : vector<16xi32>, vector<16xi1> -> vector<16xi32>
      %reduce_sum3A_131 = vector.extract %reduce_sum3A_130[15] : i32 from vector<16xi32>
      %jit3A_132 = arith.constant 0 : i32
      %broadcast_in_dim3A_133 = vector.broadcast %jit3A_132 : i32 to vector<16xi32>
      %select_n3A_134 = arith.select %ge3A_126, %broadcast_in_dim3A_133, %get3A_109 : vector<16xi1>, vector<16xi32>
      %reduce_sum3A_135 = arith.constant true
      %reduce_sum3A_136 = vector.broadcast %reduce_sum3A_135 : i1 to vector<16xi1>
      %reduce_sum3A_137 = tpu.scan <sum>, %select_n3A_134 masked %reduce_sum3A_136 : vector<16xi32>, vector<16xi1> -> vector<16xi32>
      %reduce_sum3A_138 = vector.extract %reduce_sum3A_137[15] : i32 from vector<16xi32>
      %add3A_139 = arith.addi %while3A_104#1, %reduce_sum3A_138 : i32
      %sub3A_140 = arith.constant 1 : i32
      %sub3A_141 = arith.subi %reduce_sum3A_131, %sub3A_140 : i32
      %mul3A_142 = arith.constant 16 : i32
      %mul3A_143 = arith.muli %while3A_104#0, %mul3A_142 : i32
      %add3A_144 = arith.addi %mul3A_143, %sub3A_141 : i32
      %mul3A_145 = arith.constant 16 : i32
      %mul3A_146 = arith.muli %add3A_144, %mul3A_145 : i32
      %multiple_of3A_147 = tpu.assume_multiple %mul3A_146, 16 : i32
      %get3A_148 = arith.index_cast %multiple_of3A_147 : i32 to index
      %get3A_149 = tpu.vector_load %arg5[%get3A_148] {strides = array<i32>} : memref<16384xi32, #tpu.memory_space<vmem>>, vector<16xi32>,
      %rev3A_150 = arith.constant 15 : i32
      %rev3A_151 = vector.broadcast %rev3A_150 : i32 to vector<16xi32>
      %rev3A_152 = tpu.iota {dimensions = array<i32: 0>} : vector<16xi32>
      %rev3A_153 = arith.subi %rev3A_151, %rev3A_152 : vector<16xi32>
      %rev3A_154 = tpu.dynamic_gather %get3A_149[%rev3A_153] in [0] : vector<16xi32>, vector<16xi32> -> vector<16xi32>
      %cumsum3A_155 = arith.constant true
      %cumsum3A_156 = vector.broadcast %cumsum3A_155 : i1 to vector<16xi1>
      %cumsum3A_157 = tpu.scan <sum>, %rev3A_154 masked %cumsum3A_156 : vector<16xi32>, vector<16xi1> -> vector<16xi32>
      %rev3A_158 = arith.constant 15 : i32
      %rev3A_159 = vector.broadcast %rev3A_158 : i32 to vector<16xi32>
      %rev3A_160 = tpu.iota {dimensions = array<i32: 0>} : vector<16xi32>
      %rev3A_161 = arith.subi %rev3A_159, %rev3A_160 : vector<16xi32>
      %rev3A_162 = tpu.dynamic_gather %cumsum3A_157[%rev3A_161] in [0] : vector<16xi32>, vector<16xi32> -> vector<16xi32>
      %add3A_163 = vector.broadcast %add3A_139 : i32 to vector<16xi32>
      %add3A_164 = arith.addi %add3A_163, %rev3A_162 : vector<16xi32>
      %ge3A_165 = vector.broadcast %sub3A_80 : i32 to vector<16xi32>
      %ge3A_166 = arith.cmpi sge, %add3A_164, %ge3A_165 : vector<16xi32>
      %convert_element_type3A_167 = arith.extui %ge3A_166 : vector<16xi1> to vector<16xi32>
      %reduce_sum3A_168 = arith.constant true
      %reduce_sum3A_169 = vector.broadcast %reduce_sum3A_168 : i1 to vector<16xi1>
      %reduce_sum3A_170 = tpu.scan <sum>, %convert_element_type3A_167 masked %reduce_sum3A_169 : vector<16xi32>, vector<16xi1> -> vector<16xi32>
      %reduce_sum3A_171 = vector.extract %reduce_sum3A_170[15] : i32 from vector<16xi32>
      %jit3A_172 = arith.constant 0 : i32
      %broadcast_in_dim3A_173 = vector.broadcast %jit3A_172 : i32 to vector<16xi32>
      %select_n3A_174 = arith.select %ge3A_166, %broadcast_in_dim3A_173, %get3A_149 : vector<16xi1>, vector<16xi32>
      %reduce_sum3A_175 = arith.constant true
      %reduce_sum3A_176 = vector.broadcast %reduce_sum3A_175 : i1 to vector<16xi1>
      %reduce_sum3A_177 = tpu.scan <sum>, %select_n3A_174 masked %reduce_sum3A_176 : vector<16xi32>, vector<16xi1> -> vector<16xi32>
      %reduce_sum3A_178 = vector.extract %reduce_sum3A_177[15] : i32 from vector<16xi32>
      %add3A_179 = arith.addi %add3A_139, %reduce_sum3A_178 : i32
      %sub3A_180 = arith.constant 1 : i32
      %sub3A_181 = arith.subi %reduce_sum3A_171, %sub3A_180 : i32
      %mul3A_182 = arith.constant 16 : i32
      %mul3A_183 = arith.muli %add3A_144, %mul3A_182 : i32
      %add3A_184 = arith.addi %mul3A_183, %sub3A_181 : i32
      %sub3A_185 = arith.subi %sub3A_80, %add3A_179 : i32
      %shift_left3A = arith.constant 14 : i32
      %shift_left3A_186 = arith.shli %sub3A_82, %shift_left3A : i32
      %or3A = arith.ori %shift_left3A_186, %add3A_184 : i32
      "tpu.trace_stop"() : () -> ()
      %swap3A_187 = arith.constant 0 : index
      %swap3A_188 = tpu.vector_load %arg5[%swap3A_187] {strides = array<i32>} : memref<16384xi32, #tpu.memory_space<vmem>>, vector<16xi32>,
      tpu.vector_store %arg5[%swap3A_187], %broadcast_in_dim3A_3 {strides = array<i32>} : memref<16384xi32, #tpu.memory_space<vmem>>, vector<16xi32>,
      %parallel_loop3A_189 = arith.constant 0 : i32
      %parallel_loop3A_190 = arith.constant 6250 : i32
      %parallel_loop3A_191 = arith.constant 1 : i32
      "tpu.trace_start"() <{level = 10 : i32, message = "pass3"}> : () -> ()
      scf.for %parallel_loop3A_234 = %parallel_loop3A_189 to %parallel_loop3A_190 step %parallel_loop3A_191  : i32 {
        %parallel_loop3A_235 = arith.constant 16 : i32
        %parallel_loop3A_236 = arith.muli %parallel_loop3A_234, %parallel_loop3A_235 : i32
        %parallel_loop3A_237 = tpu.assume_multiple %parallel_loop3A_236, 16 : i32
        %parallel_loop3A_238 = arith.index_cast %parallel_loop3A_237 : i32 to index
        %parallel_loop3A_239 = tpu.vector_load %arg4[%parallel_loop3A_238] {strides = array<i32>} : memref<100000xf32, #tpu.memory_space<vmem>>, vector<16xf32>,
        %parallel_loop3A_240 = tpu.bitcast %parallel_loop3A_239 : vector<16xf32> -> vector<16xi32>
        %parallel_loop3A_241 = arith.constant 4 : i32
        %parallel_loop3A_242 = vector.broadcast %parallel_loop3A_241 : i32 to vector<16xi32>
        %parallel_loop3A_243 = arith.shrsi %parallel_loop3A_240, %parallel_loop3A_242 : vector<16xi32>
        %parallel_loop3A_244 = vector.broadcast %or3A : i32 to vector<16xi32>
        %parallel_loop3A_245 = arith.cmpi eq, %parallel_loop3A_243, %parallel_loop3A_244 : vector<16xi32>
        %parallel_loop3A_246 = arith.constant 15 : i32
        %parallel_loop3A_247 = vector.broadcast %parallel_loop3A_246 : i32 to vector<16xi32>
        %parallel_loop3A_248 = arith.andi %parallel_loop3A_240, %parallel_loop3A_247 : vector<16xi32>
        tpu.vector_store_idx %arg5[%parallel_loop3A_248], %broadcast_in_dim3A_1 masked %parallel_loop3A_245 {add = true} : memref<16384xi32, #tpu.memory_space<vmem>>[vector<16xi32>], vector<16xi32>, vector<16xi1>
      } {sc.loop_unroll_factor = 10 : i64, sc.parallel_access}
      "tpu.trace_stop"() : () -> ()
      "tpu.trace_start"() <{level = 10 : i32, message = "scan3"}> : () -> ()
      %get3A_192 = arith.constant 0 : index
      %get3A_193 = tpu.vector_load %arg5[%get3A_192] {strides = array<i32>} : memref<16384xi32, #tpu.memory_space<vmem>>, vector<16xi32>,
      %rev3A_194 = arith.constant 15 : i32
      %rev3A_195 = vector.broadcast %rev3A_194 : i32 to vector<16xi32>
      %rev3A_196 = tpu.iota {dimensions = array<i32: 0>} : vector<16xi32>
      %rev3A_197 = arith.subi %rev3A_195, %rev3A_196 : vector<16xi32>
      %rev3A_198 = tpu.dynamic_gather %get3A_193[%rev3A_197] in [0] : vector<16xi32>, vector<16xi32> -> vector<16xi32>
      %cumsum3A_199 = arith.constant true
      %cumsum3A_200 = vector.broadcast %cumsum3A_199 : i1 to vector<16xi1>
      %cumsum3A_201 = tpu.scan <sum>, %rev3A_198 masked %cumsum3A_200 : vector<16xi32>, vector<16xi1> -> vector<16xi32>
      %rev3A_202 = arith.constant 15 : i32
      %rev3A_203 = vector.broadcast %rev3A_202 : i32 to vector<16xi32>
      %rev3A_204 = tpu.iota {dimensions = array<i32: 0>} : vector<16xi32>
      %rev3A_205 = arith.subi %rev3A_203, %rev3A_204 : vector<16xi32>
      %rev3A_206 = tpu.dynamic_gather %cumsum3A_201[%rev3A_205] in [0] : vector<16xi32>, vector<16xi32> -> vector<16xi32>
      %add3A_207 = arith.constant 0 : i32
      %add3A_208 = vector.broadcast %add3A_207 : i32 to vector<16xi32>
      %add3A_209 = arith.addi %add3A_208, %rev3A_206 : vector<16xi32>
      %ge3A_210 = vector.broadcast %sub3A_185 : i32 to vector<16xi32>
      %ge3A_211 = arith.cmpi sge, %add3A_209, %ge3A_210 : vector<16xi32>
      %convert_element_type3A_212 = arith.extui %ge3A_211 : vector<16xi1> to vector<16xi32>
      %reduce_sum3A_213 = arith.constant true
      %reduce_sum3A_214 = vector.broadcast %reduce_sum3A_213 : i1 to vector<16xi1>
      %reduce_sum3A_215 = tpu.scan <sum>, %convert_element_type3A_212 masked %reduce_sum3A_214 : vector<16xi32>, vector<16xi1> -> vector<16xi32>
      %reduce_sum3A_216 = vector.extract %reduce_sum3A_215[15] : i32 from vector<16xi32>
      %jit3A_217 = arith.constant 0 : i32
      %broadcast_in_dim3A_218 = vector.broadcast %jit3A_217 : i32 to vector<16xi32>
      %select_n3A_219 = arith.select %ge3A_211, %broadcast_in_dim3A_218, %get3A_193 : vector<16xi1>, vector<16xi32>
      %reduce_sum3A_220 = arith.constant true
      %reduce_sum3A_221 = vector.broadcast %reduce_sum3A_220 : i1 to vector<16xi1>
      %reduce_sum3A_222 = tpu.scan <sum>, %select_n3A_219 masked %reduce_sum3A_221 : vector<16xi32>, vector<16xi1> -> vector<16xi32>
      %reduce_sum3A_223 = vector.extract %reduce_sum3A_222[15] : i32 from vector<16xi32>
      %add3A_224 = arith.constant 0 : i32
      %add3A_225 = arith.addi %add3A_224, %reduce_sum3A_223 : i32
      %sub3A_226 = arith.constant 1 : i32
      %sub3A_227 = arith.subi %reduce_sum3A_216, %sub3A_226 : i32
      %shift_left3A_228 = arith.constant 4 : i32
      %shift_left3A_229 = arith.shli %or3A, %shift_left3A_228 : i32
      %or3A_230 = arith.ori %shift_left3A_229, %sub3A_227 : i32
      "tpu.trace_stop"() : () -> ()
      %eq3A = vector.broadcast %scan3A_16 : i32 to vector<16xi32>
      %eq3A_231 = arith.cmpi eq, %iota3A, %eq3A : vector<16xi32>
      %broadcast_in_dim3A_232 = vector.broadcast %or3A_230 : i32 to vector<16xi32>
      %select_n3A_233 = arith.select %eq3A_231, %broadcast_in_dim3A_232, %scan3A_17 : vector<16xi1>, vector<16xi32>
      scf.yield %select_n3A_233 : vector<16xi32>
    }
    %scan3A_10 = arith.constant 4 : i32
    %shift_right_arithmetic3A = arith.constant 31 : i32
    %shift_right_arithmetic3A_11 = vector.broadcast %shift_right_arithmetic3A : i32 to vector<16xi32>
    %shift_right_arithmetic3A_12 = arith.shrsi %scan3A_9, %shift_right_arithmetic3A_11 : vector<16xi32>
    %and3A = arith.constant 2147483647 : i32
    %and3A_13 = vector.broadcast %and3A : i32 to vector<16xi32>
    %and3A_14 = arith.andi %shift_right_arithmetic3A_12, %and3A_13 : vector<16xi32>
    %xor3A = arith.xori %scan3A_9, %and3A_14 : vector<16xi32>
    %bitcast_convert_type3A = tpu.bitcast %xor3A : vector<16xi32> -> vector<16xf32>
    %swap3A = arith.constant 0 : index
    %swap3A_15 = tpu.vector_load %arg7[%swap3A] {strides = array<i32>} : memref<16xf32, #tpu.memory_space<vmem>>, vector<16xf32>,
    tpu.vector_store %arg7[%swap3A], %bitcast_convert_type3A {strides = array<i32>} : memref<16xf32, #tpu.memory_space<vmem>>, vector<16xf32>,
    "tpu.region"() ({
      %run_scoped3A = tpu.sem_alloc : memref<!tpu.dma_semaphore, #tpu.memory_space<semaphore_mem>>
      %dma_start3A = arith.constant 0 : i32
      %dma_start3A_16 = tpu.memref_slice %arg3[%add3A, %dma_start3A] : memref<32x16xf32, #tpu.memory_space<hbm>> -> memref<1x16xf32, #tpu.memory_space<hbm>>
      %dma_start3A_17 = tpu.memref_squeeze %dma_start3A_16 : memref<1x16xf32, #tpu.memory_space<hbm>> -> memref<16xf32, #tpu.memory_space<hbm>>
      %dma_start3A_18 = arith.constant 0 : i32
      %dma_start3A_19 = tpu.memref_slice %arg3[%add3A, %dma_start3A_18] : memref<32x16xf32, #tpu.memory_space<hbm>> -> memref<1x16xf32, #tpu.memory_space<hbm>>
      %dma_start3A_20 = tpu.memref_squeeze %dma_start3A_19 : memref<1x16xf32, #tpu.memory_space<hbm>> -> memref<16xf32, #tpu.memory_space<hbm>>
      tpu.enqueue_dma source(%arg7 : memref<16xf32, #tpu.memory_space<vmem>>) target(%dma_start3A_20 : memref<16xf32, #tpu.memory_space<hbm>>) target_semaphore(%run_scoped3A : memref<!tpu.dma_semaphore, #tpu.memory_space<semaphore_mem>>)
      %dma_wait3A = arith.constant 0 : i32
      %dma_wait3A_21 = tpu.memref_slice %arg3[%add3A, %dma_wait3A] : memref<32x16xf32, #tpu.memory_space<hbm>> -> memref<1x16xf32, #tpu.memory_space<hbm>>
      %dma_wait3A_22 = tpu.memref_squeeze %dma_wait3A_21 : memref<1x16xf32, #tpu.memory_space<hbm>> -> memref<16xf32, #tpu.memory_space<hbm>>
      %dma_wait3A_23 = arith.constant 0 : i32
      %dma_wait3A_24 = tpu.memref_slice %arg3[%add3A, %dma_wait3A_23] : memref<32x16xf32, #tpu.memory_space<hbm>> -> memref<1x16xf32, #tpu.memory_space<hbm>>
      %dma_wait3A_25 = tpu.memref_squeeze %dma_wait3A_24 : memref<1x16xf32, #tpu.memory_space<hbm>> -> memref<16xf32, #tpu.memory_space<hbm>>
      tpu.wait_dma2 semaphore(%run_scoped3A : memref<!tpu.dma_semaphore, #tpu.memory_space<semaphore_mem>>) src(%arg7 : memref<16xf32, #tpu.memory_space<vmem>>) dst(%dma_wait3A_25 : memref<16xf32, #tpu.memory_space<hbm>>)
      tpu.yield
    }) : () -> ()
    return
  }
}

module attributes {stable_mosaic.version = 14 : i64} {
  func.func @_stats_body(%arg0: i32, %arg1: memref<10000x128xf32, #tpu.memory_space<vmem>>, %arg2: memref<10000x128xf32, #tpu.memory_space<vmem>>, %arg3: memref<8x128xf32, #tpu.memory_space<vmem>>, %arg4: memref<8x128xf32, #tpu.memory_space<vmem>>, %arg5: memref<8x128xf32, #tpu.memory_space<vmem>>, %arg6: memref<8x128xf32, #tpu.memory_space<vmem>>) attributes {dimension_semantics = [#tpu.dimension_semantics<arbitrary>], iteration_bounds = array<i64: 10>, scalar_prefetch = 0 : i64, scratch_operands = 0 : i64, tpu.core_type = #tpu.core_type<tc>, window_params = [{transform_indices = @transform_0, window_bounds = array<i64: 10000, 128>}, {transform_indices = @transform_1, window_bounds = array<i64: 10000, 128>}, {pipeline_mode = #tpu.pipeline_mode<synchronous>, transform_indices = @transform_2, window_bounds = array<i64: 8, 128>}, {pipeline_mode = #tpu.pipeline_mode<synchronous>, transform_indices = @transform_3, window_bounds = array<i64: 8, 128>}, {pipeline_mode = #tpu.pipeline_mode<synchronous>, transform_indices = @transform_4, window_bounds = array<i64: 8, 128>}, {pipeline_mode = #tpu.pipeline_mode<synchronous>, transform_indices = @transform_5, window_bounds = array<i64: 8, 128>}]} {
    %get3A = arith.constant 0 : index
    %get3A_0 = arith.constant 0 : index
    %get3A_1 = vector.load %arg1[%get3A, %get3A_0] : memref<10000x128xf32, #tpu.memory_space<vmem>>, vector<10000x128xf32>
    %get3A_2 = arith.constant 0 : index
    %get3A_3 = arith.constant 0 : index
    %get3A_4 = vector.load %arg2[%get3A_2, %get3A_3] : memref<10000x128xf32, #tpu.memory_space<vmem>>, vector<10000x128xf32>
    %reduce_min3A = arith.constant dense<0x7F800000> : vector<128xf32>
    %reduce_min3A_5 = vector.multi_reduction <minimumf>, %get3A_1, %reduce_min3A [0] : vector<10000x128xf32> to vector<128xf32>
    %broadcast_in_dim3A = vector.shape_cast %reduce_min3A_5 : vector<128xf32> to vector<1x128xf32>
    %broadcast_in_dim3A_6 = vector.shape_cast %broadcast_in_dim3A : vector<1x128xf32> to vector<1x128xf32>
    %broadcast_in_dim3A_7 = vector.broadcast %broadcast_in_dim3A_6 : vector<1x128xf32> to vector<8x128xf32>
    %reduce_max3A = arith.constant dense<0xFF800000> : vector<128xf32>
    %reduce_max3A_8 = vector.multi_reduction <maximumf>, %get3A_1, %reduce_max3A [0] : vector<10000x128xf32> to vector<128xf32>
    %broadcast_in_dim3A_9 = vector.shape_cast %reduce_max3A_8 : vector<128xf32> to vector<1x128xf32>
    %broadcast_in_dim3A_10 = vector.shape_cast %broadcast_in_dim3A_9 : vector<1x128xf32> to vector<1x128xf32>
    %broadcast_in_dim3A_11 = vector.broadcast %broadcast_in_dim3A_10 : vector<1x128xf32> to vector<8x128xf32>
    %reduce_min3A_12 = arith.constant dense<0x7F800000> : vector<128xf32>
    %reduce_min3A_13 = vector.multi_reduction <minimumf>, %get3A_4, %reduce_min3A_12 [0] : vector<10000x128xf32> to vector<128xf32>
    %broadcast_in_dim3A_14 = vector.shape_cast %reduce_min3A_13 : vector<128xf32> to vector<1x128xf32>
    %broadcast_in_dim3A_15 = vector.shape_cast %broadcast_in_dim3A_14 : vector<1x128xf32> to vector<1x128xf32>
    %broadcast_in_dim3A_16 = vector.broadcast %broadcast_in_dim3A_15 : vector<1x128xf32> to vector<8x128xf32>
    %reduce_max3A_17 = arith.constant dense<0xFF800000> : vector<128xf32>
    %reduce_max3A_18 = vector.multi_reduction <maximumf>, %get3A_4, %reduce_max3A_17 [0] : vector<10000x128xf32> to vector<128xf32>
    %broadcast_in_dim3A_19 = vector.shape_cast %reduce_max3A_18 : vector<128xf32> to vector<1x128xf32>
    %broadcast_in_dim3A_20 = vector.shape_cast %broadcast_in_dim3A_19 : vector<1x128xf32> to vector<1x128xf32>
    %broadcast_in_dim3A_21 = vector.broadcast %broadcast_in_dim3A_20 : vector<1x128xf32> to vector<8x128xf32>
    %eq3A = arith.constant 0 : i32
    %eq3A_22 = arith.cmpi eq, %arg0, %eq3A : i32
    %convert_element_type3A = arith.extui %eq3A_22 : i1 to i32
    %cond3A = arith.constant 0 : i32
    %cond3A_23 = arith.cmpi ne, %convert_element_type3A, %cond3A : i32
    scf.if %cond3A_23 {
      %swap3A = arith.constant 0 : index
      %swap3A_28 = arith.constant 0 : index
      %swap3A_29 = vector.load %arg3[%swap3A, %swap3A_28] : memref<8x128xf32, #tpu.memory_space<vmem>>, vector<8x128xf32>
      tpu.vector_store %arg3[%swap3A, %swap3A_28], %broadcast_in_dim3A_7 {strides = array<i32>} : memref<8x128xf32, #tpu.memory_space<vmem>>, vector<8x128xf32>,
      %swap3A_30 = arith.constant 0 : index
      %swap3A_31 = arith.constant 0 : index
      %swap3A_32 = vector.load %arg4[%swap3A_30, %swap3A_31] : memref<8x128xf32, #tpu.memory_space<vmem>>, vector<8x128xf32>
      tpu.vector_store %arg4[%swap3A_30, %swap3A_31], %broadcast_in_dim3A_11 {strides = array<i32>} : memref<8x128xf32, #tpu.memory_space<vmem>>, vector<8x128xf32>,
      %swap3A_33 = arith.constant 0 : index
      %swap3A_34 = arith.constant 0 : index
      %swap3A_35 = vector.load %arg5[%swap3A_33, %swap3A_34] : memref<8x128xf32, #tpu.memory_space<vmem>>, vector<8x128xf32>
      tpu.vector_store %arg5[%swap3A_33, %swap3A_34], %broadcast_in_dim3A_16 {strides = array<i32>} : memref<8x128xf32, #tpu.memory_space<vmem>>, vector<8x128xf32>,
      %swap3A_36 = arith.constant 0 : index
      %swap3A_37 = arith.constant 0 : index
      %swap3A_38 = vector.load %arg6[%swap3A_36, %swap3A_37] : memref<8x128xf32, #tpu.memory_space<vmem>>, vector<8x128xf32>
      tpu.vector_store %arg6[%swap3A_36, %swap3A_37], %broadcast_in_dim3A_21 {strides = array<i32>} : memref<8x128xf32, #tpu.memory_space<vmem>>, vector<8x128xf32>,
    } else {
    }
    %gt3A = arith.constant 0 : i32
    %gt3A_24 = arith.cmpi sgt, %arg0, %gt3A : i32
    %convert_element_type3A_25 = arith.extui %gt3A_24 : i1 to i32
    %cond3A_26 = arith.constant 0 : i32
    %cond3A_27 = arith.cmpi ne, %convert_element_type3A_25, %cond3A_26 : i32
    scf.if %cond3A_27 {
      %get3A_28 = arith.constant 0 : index
      %get3A_29 = arith.constant 0 : index
      %get3A_30 = vector.load %arg3[%get3A_28, %get3A_29] : memref<8x128xf32, #tpu.memory_space<vmem>>, vector<8x128xf32>
      %min3A = arith.minimumf %get3A_30, %broadcast_in_dim3A_7 : vector<8x128xf32>
      %swap3A = arith.constant 0 : index
      %swap3A_31 = arith.constant 0 : index
      %swap3A_32 = vector.load %arg3[%swap3A, %swap3A_31] : memref<8x128xf32, #tpu.memory_space<vmem>>, vector<8x128xf32>
      tpu.vector_store %arg3[%swap3A, %swap3A_31], %min3A {strides = array<i32>} : memref<8x128xf32, #tpu.memory_space<vmem>>, vector<8x128xf32>,
      %get3A_33 = arith.constant 0 : index
      %get3A_34 = arith.constant 0 : index
      %get3A_35 = vector.load %arg4[%get3A_33, %get3A_34] : memref<8x128xf32, #tpu.memory_space<vmem>>, vector<8x128xf32>
      %max3A = arith.maximumf %get3A_35, %broadcast_in_dim3A_11 : vector<8x128xf32>
      %swap3A_36 = arith.constant 0 : index
      %swap3A_37 = arith.constant 0 : index
      %swap3A_38 = vector.load %arg4[%swap3A_36, %swap3A_37] : memref<8x128xf32, #tpu.memory_space<vmem>>, vector<8x128xf32>
      tpu.vector_store %arg4[%swap3A_36, %swap3A_37], %max3A {strides = array<i32>} : memref<8x128xf32, #tpu.memory_space<vmem>>, vector<8x128xf32>,
      %get3A_39 = arith.constant 0 : index
      %get3A_40 = arith.constant 0 : index
      %get3A_41 = vector.load %arg5[%get3A_39, %get3A_40] : memref<8x128xf32, #tpu.memory_space<vmem>>, vector<8x128xf32>
      %min3A_42 = arith.minimumf %get3A_41, %broadcast_in_dim3A_16 : vector<8x128xf32>
      %swap3A_43 = arith.constant 0 : index
      %swap3A_44 = arith.constant 0 : index
      %swap3A_45 = vector.load %arg5[%swap3A_43, %swap3A_44] : memref<8x128xf32, #tpu.memory_space<vmem>>, vector<8x128xf32>
      tpu.vector_store %arg5[%swap3A_43, %swap3A_44], %min3A_42 {strides = array<i32>} : memref<8x128xf32, #tpu.memory_space<vmem>>, vector<8x128xf32>,
      %get3A_46 = arith.constant 0 : index
      %get3A_47 = arith.constant 0 : index
      %get3A_48 = vector.load %arg6[%get3A_46, %get3A_47] : memref<8x128xf32, #tpu.memory_space<vmem>>, vector<8x128xf32>
      %max3A_49 = arith.maximumf %get3A_48, %broadcast_in_dim3A_21 : vector<8x128xf32>
      %swap3A_50 = arith.constant 0 : index
      %swap3A_51 = arith.constant 0 : index
      %swap3A_52 = vector.load %arg6[%swap3A_50, %swap3A_51] : memref<8x128xf32, #tpu.memory_space<vmem>>, vector<8x128xf32>
      tpu.vector_store %arg6[%swap3A_50, %swap3A_51], %max3A_49 {strides = array<i32>} : memref<8x128xf32, #tpu.memory_space<vmem>>, vector<8x128xf32>,
    } else {
    }
    return
  }
  func.func @transform_0(%arg0: i32) -> (i32, i32) {
    %c0_i32 = arith.constant 0 : i32
    %c0_i32_0 = arith.constant 0 : i32
    return %arg0, %c0_i32 : i32, i32
  }
  func.func @transform_1(%arg0: i32) -> (i32, i32) {
    %c0_i32 = arith.constant 0 : i32
    %c0_i32_0 = arith.constant 0 : i32
    return %arg0, %c0_i32 : i32, i32
  }
  func.func @transform_2(%arg0: i32) -> (i32, i32) {
    %c0_i32 = arith.constant 0 : i32
    %c0_i32_0 = arith.constant 0 : i32
    %c0_i32_1 = arith.constant 0 : i32
    return %c0_i32, %c0_i32_0 : i32, i32
  }
  func.func @transform_3(%arg0: i32) -> (i32, i32) {
    %c0_i32 = arith.constant 0 : i32
    %c0_i32_0 = arith.constant 0 : i32
    %c0_i32_1 = arith.constant 0 : i32
    return %c0_i32, %c0_i32_0 : i32, i32
  }
  func.func @transform_4(%arg0: i32) -> (i32, i32) {
    %c0_i32 = arith.constant 0 : i32
    %c0_i32_0 = arith.constant 0 : i32
    %c0_i32_1 = arith.constant 0 : i32
    return %c0_i32, %c0_i32_0 : i32, i32
  }
  func.func @transform_5(%arg0: i32) -> (i32, i32) {
    %c0_i32 = arith.constant 0 : i32
    %c0_i32_0 = arith.constant 0 : i32
    %c0_i32_1 = arith.constant 0 : i32
    return %c0_i32, %c0_i32_0 : i32, i32
  }
}

module attributes {stable_mosaic.version = 14 : i64} {
  func.func @_thresh_body(%arg0: i32, %arg1: memref<10000x128xf32, #tpu.memory_space<vmem>>, %arg2: memref<8x128xf32, #tpu.memory_space<vmem>>, %arg3: memref<8x128xf32, #tpu.memory_space<vmem>>, %arg4: memref<8x128xf32, #tpu.memory_space<vmem>>, %arg5: memref<8x128xf32, #tpu.memory_space<vmem>>) attributes {dimension_semantics = [#tpu.dimension_semantics<arbitrary>], iteration_bounds = array<i64: 10>, scalar_prefetch = 0 : i64, scratch_operands = 0 : i64, tpu.core_type = #tpu.core_type<tc>, window_params = [{transform_indices = @transform_0, window_bounds = array<i64: 10000, 128>}, {pipeline_mode = #tpu.pipeline_mode<synchronous>, transform_indices = @transform_1, window_bounds = array<i64: 8, 128>}, {pipeline_mode = #tpu.pipeline_mode<synchronous>, transform_indices = @transform_2, window_bounds = array<i64: 8, 128>}, {pipeline_mode = #tpu.pipeline_mode<synchronous>, transform_indices = @transform_3, window_bounds = array<i64: 8, 128>}, {pipeline_mode = #tpu.pipeline_mode<synchronous>, transform_indices = @transform_4, window_bounds = array<i64: 8, 128>}]} {
    %get3A = arith.constant 0 : index
    %get3A_0 = arith.constant 0 : index
    %get3A_1 = vector.load %arg2[%get3A, %get3A_0] : memref<8x128xf32, #tpu.memory_space<vmem>>, vector<1x128xf32>
    %get3A_2 = arith.constant 0 : index
    %get3A_3 = arith.constant 0 : index
    %get3A_4 = vector.load %arg3[%get3A_2, %get3A_3] : memref<8x128xf32, #tpu.memory_space<vmem>>, vector<1x128xf32>
    %sub3A = arith.subf %get3A_4, %get3A_1 : vector<1x128xf32>
    %get3A_5 = arith.constant 0 : index
    %get3A_6 = arith.constant 0 : index
    %get3A_7 = vector.load %arg1[%get3A_5, %get3A_6] : memref<10000x128xf32, #tpu.memory_space<vmem>>, vector<10000x128xf32>
    %sub3A_8 = vector.broadcast %get3A_1 : vector<1x128xf32> to vector<10000x128xf32>
    %sub3A_9 = arith.subf %get3A_7, %sub3A_8 : vector<10000x128xf32>
    %div3A = vector.broadcast %sub3A : vector<1x128xf32> to vector<10000x128xf32>
    %div3A_10 = arith.divf %sub3A_9, %div3A : vector<10000x128xf32>
    %get3A_11 = arith.constant 0 : index
    %get3A_12 = arith.constant 0 : index
    %get3A_13 = vector.load %arg4[%get3A_11, %get3A_12] : memref<8x128xf32, #tpu.memory_space<vmem>>, vector<1x128xf32>
    %le3A = vector.broadcast %get3A_13 : vector<1x128xf32> to vector<10000x128xf32>
    %le3A_14 = arith.cmpf ole, %get3A_7, %le3A : vector<10000x128xf32>
    %jit3A = arith.constant 0xFF800000 : f32
    %broadcast_in_dim3A = vector.broadcast %jit3A : f32 to vector<10000x128xf32>
    %select_n3A = arith.select %le3A_14, %div3A_10, %broadcast_in_dim3A : vector<10000x128xi1>, vector<10000x128xf32>
    %reduce_max3A = arith.constant dense<0xFF800000> : vector<128xf32>
    %reduce_max3A_15 = vector.multi_reduction <maximumf>, %select_n3A, %reduce_max3A [0] : vector<10000x128xf32> to vector<128xf32>
    %broadcast_in_dim3A_16 = vector.shape_cast %reduce_max3A_15 : vector<128xf32> to vector<1x128xf32>
    %broadcast_in_dim3A_17 = vector.shape_cast %broadcast_in_dim3A_16 : vector<1x128xf32> to vector<1x128xf32>
    %broadcast_in_dim3A_18 = vector.broadcast %broadcast_in_dim3A_17 : vector<1x128xf32> to vector<8x128xf32>
    %eq3A = arith.constant 0 : i32
    %eq3A_19 = arith.cmpi eq, %arg0, %eq3A : i32
    %convert_element_type3A = arith.extui %eq3A_19 : i1 to i32
    %cond3A = arith.constant 0 : i32
    %cond3A_20 = arith.cmpi ne, %convert_element_type3A, %cond3A : i32
    scf.if %cond3A_20 {
      %swap3A = arith.constant 0 : index
      %swap3A_25 = arith.constant 0 : index
      %swap3A_26 = vector.load %arg5[%swap3A, %swap3A_25] : memref<8x128xf32, #tpu.memory_space<vmem>>, vector<8x128xf32>
      tpu.vector_store %arg5[%swap3A, %swap3A_25], %broadcast_in_dim3A_18 {strides = array<i32>} : memref<8x128xf32, #tpu.memory_space<vmem>>, vector<8x128xf32>,
    } else {
    }
    %gt3A = arith.constant 0 : i32
    %gt3A_21 = arith.cmpi sgt, %arg0, %gt3A : i32
    %convert_element_type3A_22 = arith.extui %gt3A_21 : i1 to i32
    %cond3A_23 = arith.constant 0 : i32
    %cond3A_24 = arith.cmpi ne, %convert_element_type3A_22, %cond3A_23 : i32
    scf.if %cond3A_24 {
      %get3A_25 = arith.constant 0 : index
      %get3A_26 = arith.constant 0 : index
      %get3A_27 = vector.load %arg5[%get3A_25, %get3A_26] : memref<8x128xf32, #tpu.memory_space<vmem>>, vector<8x128xf32>
      %max3A = arith.maximumf %get3A_27, %broadcast_in_dim3A_18 : vector<8x128xf32>
      %swap3A = arith.constant 0 : index
      %swap3A_28 = arith.constant 0 : index
      %swap3A_29 = vector.load %arg5[%swap3A, %swap3A_28] : memref<8x128xf32, #tpu.memory_space<vmem>>, vector<8x128xf32>
      tpu.vector_store %arg5[%swap3A, %swap3A_28], %max3A {strides = array<i32>} : memref<8x128xf32, #tpu.memory_space<vmem>>, vector<8x128xf32>,
    } else {
    }
    return
  }
  func.func @transform_0(%arg0: i32) -> (i32, i32) {
    %c0_i32 = arith.constant 0 : i32
    %c0_i32_0 = arith.constant 0 : i32
    return %arg0, %c0_i32 : i32, i32
  }
  func.func @transform_1(%arg0: i32) -> (i32, i32) {
    %c0_i32 = arith.constant 0 : i32
    %c0_i32_0 = arith.constant 0 : i32
    %c0_i32_1 = arith.constant 0 : i32
    return %c0_i32, %c0_i32_0 : i32, i32
  }
  func.func @transform_2(%arg0: i32) -> (i32, i32) {
    %c0_i32 = arith.constant 0 : i32
    %c0_i32_0 = arith.constant 0 : i32
    %c0_i32_1 = arith.constant 0 : i32
    return %c0_i32, %c0_i32_0 : i32, i32
  }
  func.func @transform_3(%arg0: i32) -> (i32, i32) {
    %c0_i32 = arith.constant 0 : i32
    %c0_i32_0 = arith.constant 0 : i32
    %c0_i32_1 = arith.constant 0 : i32
    return %c0_i32, %c0_i32_0 : i32, i32
  }
  func.func @transform_4(%arg0: i32) -> (i32, i32) {
    %c0_i32 = arith.constant 0 : i32
    %c0_i32_0 = arith.constant 0 : i32
    %c0_i32_1 = arith.constant 0 : i32
    return %c0_i32, %c0_i32_0 : i32, i32
  }
}

module attributes {stable_mosaic.version = 14 : i64} {
  func.func @_out_body(%arg0: i32, %arg1: memref<10000x128xf32, #tpu.memory_space<vmem>>, %arg2: memref<10000x128xf32, #tpu.memory_space<vmem>>, %arg3: memref<8x128xf32, #tpu.memory_space<vmem>>, %arg4: memref<8x128xf32, #tpu.memory_space<vmem>>, %arg5: memref<8x128xf32, #tpu.memory_space<vmem>>, %arg6: memref<8x128xf32, #tpu.memory_space<vmem>>, %arg7: memref<8x128xf32, #tpu.memory_space<vmem>>, %arg8: memref<10000x128xf32, #tpu.memory_space<vmem>>) attributes {dimension_semantics = [#tpu.dimension_semantics<arbitrary>], iteration_bounds = array<i64: 10>, scalar_prefetch = 0 : i64, scratch_operands = 0 : i64, tpu.core_type = #tpu.core_type<tc>, window_params = [{transform_indices = @transform_0, window_bounds = array<i64: 10000, 128>}, {transform_indices = @transform_1, window_bounds = array<i64: 10000, 128>}, {pipeline_mode = #tpu.pipeline_mode<synchronous>, transform_indices = @transform_2, window_bounds = array<i64: 8, 128>}, {pipeline_mode = #tpu.pipeline_mode<synchronous>, transform_indices = @transform_3, window_bounds = array<i64: 8, 128>}, {pipeline_mode = #tpu.pipeline_mode<synchronous>, transform_indices = @transform_4, window_bounds = array<i64: 8, 128>}, {pipeline_mode = #tpu.pipeline_mode<synchronous>, transform_indices = @transform_5, window_bounds = array<i64: 8, 128>}, {pipeline_mode = #tpu.pipeline_mode<synchronous>, transform_indices = @transform_6, window_bounds = array<i64: 8, 128>}, {transform_indices = @transform_7, window_bounds = array<i64: 10000, 128>}]} {
    %get3A = arith.constant 0 : index
    %get3A_0 = arith.constant 0 : index
    %get3A_1 = vector.load %arg3[%get3A, %get3A_0] : memref<8x128xf32, #tpu.memory_space<vmem>>, vector<1x128xf32>
    %get3A_2 = arith.constant 0 : index
    %get3A_3 = arith.constant 0 : index
    %get3A_4 = vector.load %arg4[%get3A_2, %get3A_3] : memref<8x128xf32, #tpu.memory_space<vmem>>, vector<1x128xf32>
    %sub3A = arith.subf %get3A_4, %get3A_1 : vector<1x128xf32>
    %get3A_5 = arith.constant 0 : index
    %get3A_6 = arith.constant 0 : index
    %get3A_7 = vector.load %arg5[%get3A_5, %get3A_6] : memref<8x128xf32, #tpu.memory_space<vmem>>, vector<1x128xf32>
    %get3A_8 = arith.constant 0 : index
    %get3A_9 = arith.constant 0 : index
    %get3A_10 = vector.load %arg6[%get3A_8, %get3A_9] : memref<8x128xf32, #tpu.memory_space<vmem>>, vector<1x128xf32>
    %sub3A_11 = arith.subf %get3A_10, %get3A_7 : vector<1x128xf32>
    %get3A_12 = arith.constant 0 : index
    %get3A_13 = arith.constant 0 : index
    %get3A_14 = vector.load %arg7[%get3A_12, %get3A_13] : memref<8x128xf32, #tpu.memory_space<vmem>>, vector<1x128xf32>
    %get3A_15 = arith.constant 0 : index
    %get3A_16 = arith.constant 0 : index
    %get3A_17 = vector.load %arg1[%get3A_15, %get3A_16] : memref<10000x128xf32, #tpu.memory_space<vmem>>, vector<10000x128xf32>
    %get3A_18 = arith.constant 0 : index
    %get3A_19 = arith.constant 0 : index
    %get3A_20 = vector.load %arg2[%get3A_18, %get3A_19] : memref<10000x128xf32, #tpu.memory_space<vmem>>, vector<10000x128xf32>
    %sub3A_21 = vector.broadcast %get3A_1 : vector<1x128xf32> to vector<10000x128xf32>
    %sub3A_22 = arith.subf %get3A_17, %sub3A_21 : vector<10000x128xf32>
    %div3A = vector.broadcast %sub3A : vector<1x128xf32> to vector<10000x128xf32>
    %div3A_23 = arith.divf %sub3A_22, %div3A : vector<10000x128xf32>
    %sub3A_24 = vector.broadcast %get3A_7 : vector<1x128xf32> to vector<10000x128xf32>
    %sub3A_25 = arith.subf %get3A_20, %sub3A_24 : vector<10000x128xf32>
    %div3A_26 = vector.broadcast %sub3A_11 : vector<1x128xf32> to vector<10000x128xf32>
    %div3A_27 = arith.divf %sub3A_25, %div3A_26 : vector<10000x128xf32>
    %ge3A = vector.broadcast %get3A_14 : vector<1x128xf32> to vector<10000x128xf32>
    %ge3A_28 = arith.cmpf oge, %div3A_23, %ge3A : vector<10000x128xf32>
    %add3A = arith.constant 1.000000e+00 : f32
    %add3A_29 = vector.broadcast %add3A : f32 to vector<10000x128xf32>
    %add3A_30 = arith.addf %add3A_29, %div3A_27 : vector<10000x128xf32>
    %mul3A = arith.constant 1.000000e+03 : f32
    %mul3A_31 = vector.broadcast %mul3A : f32 to vector<10000x128xf32>
    %mul3A_32 = arith.mulf %mul3A_31, %add3A_30 : vector<10000x128xf32>
    %jit3A = arith.constant 0.000000e+00 : f32
    %broadcast_in_dim3A = vector.broadcast %jit3A : f32 to vector<10000x128xf32>
    %select_n3A = arith.select %ge3A_28, %mul3A_32, %broadcast_in_dim3A : vector<10000x128xi1>, vector<10000x128xf32>
    %add3A_33 = arith.addf %div3A_23, %select_n3A : vector<10000x128xf32>
    %swap3A = arith.constant 0 : index
    %swap3A_34 = arith.constant 0 : index
    %swap3A_35 = vector.load %arg8[%swap3A, %swap3A_34] : memref<10000x128xf32, #tpu.memory_space<vmem>>, vector<10000x128xf32>
    tpu.vector_store %arg8[%swap3A, %swap3A_34], %add3A_33 {strides = array<i32>} : memref<10000x128xf32, #tpu.memory_space<vmem>>, vector<10000x128xf32>,
    return
  }
  func.func @transform_0(%arg0: i32) -> (i32, i32) {
    %c0_i32 = arith.constant 0 : i32
    %c0_i32_0 = arith.constant 0 : i32
    return %arg0, %c0_i32 : i32, i32
  }
  func.func @transform_1(%arg0: i32) -> (i32, i32) {
    %c0_i32 = arith.constant 0 : i32
    %c0_i32_0 = arith.constant 0 : i32
    return %arg0, %c0_i32 : i32, i32
  }
  func.func @transform_2(%arg0: i32) -> (i32, i32) {
    %c0_i32 = arith.constant 0 : i32
    %c0_i32_0 = arith.constant 0 : i32
    %c0_i32_1 = arith.constant 0 : i32
    return %c0_i32, %c0_i32_0 : i32, i32
  }
  func.func @transform_3(%arg0: i32) -> (i32, i32) {
    %c0_i32 = arith.constant 0 : i32
    %c0_i32_0 = arith.constant 0 : i32
    %c0_i32_1 = arith.constant 0 : i32
    return %c0_i32, %c0_i32_0 : i32, i32
  }
  func.func @transform_4(%arg0: i32) -> (i32, i32) {
    %c0_i32 = arith.constant 0 : i32
    %c0_i32_0 = arith.constant 0 : i32
    %c0_i32_1 = arith.constant 0 : i32
    return %c0_i32, %c0_i32_0 : i32, i32
  }
  func.func @transform_5(%arg0: i32) -> (i32, i32) {
    %c0_i32 = arith.constant 0 : i32
    %c0_i32_0 = arith.constant 0 : i32
    %c0_i32_1 = arith.constant 0 : i32
    return %c0_i32, %c0_i32_0 : i32, i32
  }
  func.func @transform_6(%arg0: i32) -> (i32, i32) {
    %c0_i32 = arith.constant 0 : i32
    %c0_i32_0 = arith.constant 0 : i32
    %c0_i32_1 = arith.constant 0 : i32
    return %c0_i32, %c0_i32_0 : i32, i32
  }
  func.func @transform_7(%arg0: i32) -> (i32, i32) {
    %c0_i32 = arith.constant 0 : i32
    %c0_i32_0 = arith.constant 0 : i32
    return %arg0, %c0_i32 : i32, i32
  }
}

</mosaic_0001>

<sc_bundles>
// kernel: kernel.6.cloned.1.call-start
scs
__scs_entry_jumppad:
0x0: {  	(pc) =	sbr.rel $0x88, $3  }
0x1: {  	(tag) =	ssettag $0x0;
	lr =	simm.s32 $0x1  }
0x2: {  	[smem:$0x3F9F] =	sst lr;
	_ =	strace $0xD0000000  }
0x3: {  	_ = 	snop  }
0x4: {  	_ = 	snop  }
0x5: {  	_ = 	snop  }
0x6: {  	_ = 	snop  }
0x7: {  	_ = 	snop  }
__scs_overlays_trampoline_lowered:
0x8: {  	[smem:$0x3FAE] =	sst s0  }
0x9: {  	[smem:$0x3FAF] =	sst s1  }
0xa: {  	[smem:$0x3FB0] =	sst s2  }
0xb: {  	[smem:$0x3FB1] =	sst s3  }
0xc: {  	[smem:$0x3FB2] =	sst s4  }
0xd: {  	[smem:$0x3FB3] =	sst s5  }
0xe: {  	[smem:$0x3FB4] =	sst s6  }
0xf: {  	[smem:$0x3FB5] =	sst s7  }
0x10: {  	[smem:$0x3FB6] =	sst s8  }
0x11: {  	[smem:$0x3FB7] =	sst s9;
	s0 =	simm.s32 @!p0 $0x0  }
0x12: {  	s1 =	sld [smem:$0x3F9D];
	s0 =	simm.s32 @p0 $0x1  }
0x13: {  	[smem:$0x3FB8] =	sst s0;
	s0 =	simm.s32 @!p1 $0x0  }
0x14: {  	s2 =	sld [smem:$0x3F9C];
	s0 =	simm.s32 @p1 $0x1  }
0x15: {  	[smem:$0x3FB9] =	sst s0;
	s0 =	simm.s32 @!p2 $0x0  }
0x16: {  	s3 =	sld [smem:$0x3FDB];
	s0 =	simm.s32 @p2 $0x1  }
0x17: {  	s4 =	simm.s32 $0x1BF5;
	[smem:$0x3FBB] =	sst s0  }
0x18: {  	s0 =	sld [smem:$0x3F9E];
	_ =	swait.ge [sflag:s4], $0x0  }
0x19: {  	s7 =	sld [smem:$0x3F9F]  }
0x1a: {  	s8 =	sadd.s32 $0xFFFFE003, lr  }
0x1b: {  	s9 =	sadd.s32 $0xFFFFFEF7, lr;
	s5 =	simm.s32 $0xFFFFFFFF;
	p2 =	slt.u32 s8, $0xFFFFF086  }
0x1c: {  	p1 =	slt.u32 s9, $0xF7A;
	s5 =	simm.s32 @!p2 $0x0  }
0x1d: {  	s5 =	simm.s32 @p1 $0x1;
	p0 =	seq.s32 s7, s2  }
0x1e: {  	s7 =	smul.u32 @!p0 $0xF7A, s2;
	p2 =	seq.s32 @!p0 s5, $0x0  }
0x1f: {  	s9 =	smul.u32 $0xF7A, s1;
	s8 =	simm.s32 @!p0 $0x1BF5;
	p2 =	por !p2, p0  }
0x20: {  	[sflag:s8] =	ssyncset.s32 @!p0 $0xFFFFF086;
	s6 =	sadd.s32 @!p0 s3, s7;
	s7 =	simm.s32 @!p0 $0x108  }
0x21: {  	s3 =	sadd.s32 s3, s9;
	s6 =	sadd.s32 @!p0 $0x88, s6;
	s7 =	simm.s32 @p2 $0x1082  }
0x22: {  	[simem:s7], [sflag:s8] =	dma.local @!p0 [hbm:s6], $0xF7A  }
0x23: {  	s9 =	sor.u32 $0xD0000000, s2;
	s6 =	simm.s32 $0x108;
	_ =	swait.ge @!p0 [sflag:s8], $0x0  }
0x24: {  	s3 =	sadd.s32 $0x88, s3;
	s6 =	simm.s32 @!p1 $0x1082;
	[sflag:s4] =	ssyncset.s32 $0xFFFFF086  }
0x25: {  	[simem:s6], [sflag:s4] =	dma.local [hbm:s3], $0xF7A  }
0x26: {  	[smem:$0x3F9F] =	sst s1;
	(tag) =	ssettag s2;
	_ =	strace s9  }
0x27: {  	s1 =	sld [smem:$0x3FAF]  }
0x28: {  	s2 =	sld [smem:$0x3FB0]  }
0x29: {  	s4 =	sld [smem:$0x3FB2]  }
0x2a: {  	p0 =	seq.s32 s5, $0x0;
	s5 =	sld [smem:$0x3FB3]  }
0x2b: {  	s6 =	sld [smem:$0x3FB4]  }
0x2c: {  	s7 =	sld [smem:$0x3FB5]  }
0x2d: {  	s3 =	simm.s32 $0x108;
	s8 =	sld [smem:$0x3FB6]  }
0x2e: {  	s3 =	simm.s32 @!p0 $0x1082;
	s9 =	sld [smem:$0x3FB7]  }
0x2f: {  	lr =	sadd.s32 s0, s3;
	s0 =	sld [smem:$0x3FAE]  }
0x30: {  	s3 =	sld [smem:$0x3FB1]  }
0x31: {  	[smem:$0x3FBA] =	sst s10  }
0x32: {  	s10 =	sld [smem:$0x3FB8];
	_ =	sdelay $0x3  }
0x33: {  	p0 =	seq.s32 s10, $0x1;
	s10 =	sld [smem:$0x3FBA];
	_ =	sdelay $0x3  }
0x34: {  	[smem:$0x3FBA] =	sst s10  }
0x35: {  	s10 =	sld [smem:$0x3FB9];
	_ =	sdelay $0x3  }
0x36: {  	p1 =	seq.s32 s10, $0x1;
	s10 =	sld [smem:$0x3FBA];
	_ =	sdelay $0x3  }
0x37: {  	[smem:$0x3FBA] =	sst s10  }
0x38: {  	s10 =	sld [smem:$0x3FBB]  }
0x39: {  	_ = 	snop;
	(pc) =	sbr.ind lr, $3  }
0x3a: {  	_ = 	snop  }
0x3b: {  	_ = 	snop  }
0x3c: {  	p2 =	seq.s32 s10, $0x1;
	s10 =	sld [smem:$0x3FBA]  }
0x3d: {  	_ =	shalt  }
0x3e: {  	_ =	shalt  }
0x3f: {  	_ =	shalt  }
0x40: {  	_ =	shalt  }
0x41: {  	_ =	shalt  }
0x42: {  	_ =	shalt  }
0x43: {  	_ =	shalt  }
0x44: {  	_ =	shalt  }
0x45: {  	_ =	shalt  }
0x46: {  	_ =	shalt  }
0x47: {  	_ =	shalt  }
0x48: {  	_ =	shalt  }
0x49: {  	_ =	shalt  }
0x4a: {  	_ =	shalt  }
0x4b: {  	_ =	shalt  }
0x4c: {  	_ =	shalt  }
0x4d: {  	_ =	shalt  }
0x4e: {  	_ =	shalt  }
0x4f: {  	_ =	shalt  }
0x50: {  	_ =	shalt  }
0x51: {  	_ =	shalt  }
0x52: {  	_ =	shalt  }
0x53: {  	_ =	shalt  }
0x54: {  	_ =	shalt  }
0x55: {  	_ =	shalt  }
0x56: {  	_ =	shalt  }
0x57: {  	_ =	shalt  }
0x58: {  	_ =	shalt  }
0x59: {  	_ =	shalt  }
0x5a: {  	_ =	shalt  }
0x5b: {  	_ =	shalt  }
0x5c: {  	_ =	shalt  }
0x5d: {  	_ =	shalt  }
0x5e: {  	_ =	shalt  }
0x5f: {  	_ =	shalt  }
0x60: {  	_ =	shalt  }
0x61: {  	_ =	shalt  }
0x62: {  	_ =	shalt  }
0x63: {  	_ =	shalt  }
0x64: {  	_ =	shalt  }
0x65: {  	_ =	shalt  }
0x66: {  	_ =	shalt  }
0x67: {  	_ =	shalt  }
0x68: {  	_ =	shalt  }
0x69: {  	_ =	shalt  }
0x6a: {  	_ =	shalt  }
0x6b: {  	_ =	shalt  }
0x6c: {  	_ =	shalt  }
0x6d: {  	_ =	shalt  }
0x6e: {  	_ =	shalt  }
0x6f: {  	_ =	shalt  }
0x70: {  	_ =	shalt  }
0x71: {  	_ =	shalt  }
0x72: {  	_ =	shalt  }
0x73: {  	_ =	shalt  }
0x74: {  	_ =	shalt  }
0x75: {  	_ =	shalt  }
0x76: {  	_ =	shalt  }
0x77: {  	_ =	shalt  }
0x78: {  	_ =	shalt  }
0x79: {  	_ =	shalt  }
0x7a: {  	_ =	shalt  }
0x7b: {  	_ =	shalt  }
0x7c: {  	_ =	shalt  }
0x7d: {  	_ =	shalt  }
0x7e: {  	_ =	shalt  }
0x7f: {  	_ =	shalt  }
0x80: {  	_ =	shalt  }
0x81: {  	_ =	shalt  }
0x82: {  	_ =	shalt  }
0x83: {  	_ =	shalt  }
0x84: {  	_ =	shalt  }
0x85: {  	_ =	shalt  }
0x86: {  	_ =	shalt  }
0x87: {  	_ =	shalt  }
.Lfunc_end0:
.L_simem_size_0:
called_computation_lowered:
.L_overlay_start_0:
0x88: {  	s2 =	sld [smem:$0x3FD9]  }
0x89: {  	s3 =	sld [smem:$0x3FFE];
	_ =	sdelay $0x1  }
0x8a: {  	s1 =	srdreg.scid  }
0x8b: {  	s0 =	sand.u32 $0x1, s1  }
0x8c: {  	s17 =	sshll.u32 s0, $0xA;
	s2 =	sadd.s32 s3, s2  }
0x8d: {  	s2 =	sadd.s32 s2, s17  }
0x8e: {  	[smem:$0x3FC6] =	sst s2  }
0x8f: {  	_ = 	snop  }
0x90: {  	s2 =	sld [smem:$0x3FD0];
	(tm) =	ssettm $0x1  }
0x91: {  	s18 =	sld [smem:$0x3FFB];
	_ =	sdelay $0x3  }
0x92: {  	_ =	strace s18  }
0x93: {  	s3 =	sld [smem:$0x3FFC];
	_ =	sdelay $0x3  }
0x94: {  	_ =	strace s3  }
0x95: {  	s3 =	sld [smem:$0x3FFD];
	_ =	sdelay $0x3  }
0x96: {  	_ =	strace s3  }
0x97: {  	_ =	strace $0x8FFFFFFF  }
0x98: {  	s19 =	sld [smem:$0x3FDB];
	_ =	sdelay $0x1  }
0x99: {  	s4 =	simm.s32 $_scs_section_size  }
0x9a: {  	s5 =	simm.s32 $_size__tile_overlayer_lowered;
	s6 =	simm.s32 $_tile_overlayer_lowered  }
0x9b: {  	s22 =	simm.s32 $0x1BFF;
	s21 =	sshll.u32 s6, $0x1;
	s3 =	sadd.s32 s4, s19  }
0x9c: {  	s7 =	simm.s32 $0x0;
	s20 =	sshll.u32 s5, $0x1;
	s5 =	sadd.s32 s21, s3  }
0x9d: {  	[timem:s7], [sflag:s22] =	dma.local [hbm:s5], s20  }
0x9e: {  	_ =	swait.ge [sflag:s22], s20  }
0x9f: {  	s4 =	ssub.s32 $0x0, s20;
	[sflag:s22] =	ssyncset.done $0x0  }
0xa0: {  	[sflag:s22] =	ssyncadd.s32 s4;
	_ =	sdelay $0x1  }
0xa1: {  	s23 =	simm.s32 $0x1B8B  }
0xa2: {  	_ =	swait.ge [sflag:s23], $0x1  }
0xa3: {  	[sflag:s23] =	ssyncset.done $0x0  }
0xa4: {  	s25 =	simm.s32 $0x1B8E;
	s24 =	sld [smem:$0x3FFE];
	[sflag:s23] =	ssyncadd.s32 $0xFFFFFFFF  }
0xa5: {  	s26 =	simm.s32 $execute0_lowered;
	[smem:$0x3FD2] =	sst s25  }
0xa6: {  	s5 =	sshll.u32 s26, $0x1;
	_ =	strace $0x80000046;
	[dreg:$0x1] =	wrdreg $0xFFFFFFFF  }
0xa7: {  	s28 =	simm.s32 $_size_execute0_lowered;
	s3 =	sadd.s32 s3, s5;
	[dreg:$0x0] =	wrdreg $0x0  }
0xa8: {  	s5 =	sshll.u32 s28, $0x1;
	[dreg:$0x2] =	wrdreg s3  }
0xa9: {  	[dreg:$0x3] =	wrdreg s5  }
0xaa: {  	[dreg:$0x4] =	wrdreg $0xC0  }
0xab: {  	_ =	task [dreg:s7], $0x5FFFF  }
0xac: {  	[dreg:$0x1] =	wrdreg $0xFFFFFFFF  }
0xad: {  	[dreg:$0x0] =	wrdreg $0x60  }
0xae: {  	[dreg:$0x2] =	wrdreg s24  }
0xaf: {  	[dreg:$0x3] =	wrdreg s2  }
0xb0: {  	[dreg:$0x4] =	wrdreg $0x9  }
0xb1: {  	_ =	task.clear_ibuf [dreg:s7], $0x5FFFF;
	_ =	strace $0x90000046  }
0xb2: {  	s29 =	simm.s32 $0x9;
	_ =	strace $0x80000051  }
0xb3: {  	_ =	swait.ge [sflag:s29], $0x1  }
0xb4: {  	[sflag:s29] =	ssyncadd.s32 $0xFFFFFFFF  }
0xb5: {  	_ =	strace $0x90000051  }
0xb6: {  	_ =	sfence  }
0xb7: {  	s30 =	sld [smem:$0x0];
	_ =	sdelay $0x2  }
0xb8: {  	s31 =	sshll.u32 s1, $0xD;
	s1 =	sshrl.u32 s1, $0x2  }
0xb9: {  	s3 =	sand.u32 $0x4000, s31;
	s1 =	sadd.s32 s1, s30  }
0xba: {  	s0 =	sor.u32 s3, s0;
	s1 =	sshll.u32 s1, $0x11  }
0xbb: {  	s0 =	sor.u32 s1, s0  }
0xbc: {  	s0 =	sadd.s32 $0x8F2B, s0  }
0xbd: {  	[sflag:s0] =	ssyncadd.remote.s32 $0x1  }
0xbe: {  	_ =	sfence.sel $0xFFFF  }
0xbf: {  	[dreg:$0x0] =	wrdreg $0xFFFFFFFF;
	(pc) =	sbr.abs _section_cstart, $3  }
0xc0: {  	[dreg:$0x1] =	wrdreg $0xFFFFFFFF  }
0xc1: {  	_ =	task.clear_ibuf [dreg:s7], $0x2FFFF;
	_ =	strace $0x9FFFFFFF  }
0xc2: {  	(tm) =	ssettm $0x7FFFFFFF  }
0xc3: {  	_ =	shalt  }
tec
execute0_lowered:
.L_overlay_start_1:
0x0: {  	(tag) =	ssettag $0x1  }
0x1: {  	s3 =	rddreg [dreg:$0x0]  }
0x2: {  	s5 =	rddreg [dreg:$0x1]  }
0x3: {  	s0 =	rddreg [dreg:$0x2];
	s1 =	simm.s32 $0x0  }
0x4: {  	s2 =	srdreg.scid;
	s10 =	simm.s32 $0x18700;
	s11 =	simm.s32 $0x1C700  }
0x5: {  	s12 =	simm.s32 $0x1CB00;
	s13 =	simm.s32 $0x0;
	[smem:$0x7FF] =	sst s1  }
0x6: {  	s4 =	sand.u32 $0x1, s2;
	s2 =	stileid.u32;
	s3 =	sadd.s32 $0x600, s3  }
0x7: {  	_ =	strace $0x80000047;
	s6 =	ssub.s32 $0x2, s4;
	s8 =	smul.u32 $0xC3800, s2  }
0x8: {  	v0 =	vlaneseq.u32;
	s30 =	sshll.u32 s4, $0x9;
	s9 =	sshll.u32 s4, $0x4;
	s31 =	sshll.u32 s2, $0x5  }
0x9: {  	v3 =	vmul.u32 $0xFFFFFFFF, v0;
	s7 =	sshrl.u32 s6, $0x1;
	s5 =	sadd.s32 s5, s9;
	s9 =	simm.s32 $0x1  }
0xa: {  	s6 =	ssub.s32 s6, s7;
	s4 =	sor.u32 s8, s30;
	s5 =	sadd.s32 s31, s5  }
0xb: {  	v1 =	vimm.s32 $0x0;
	v2 =	vimm.s32 $0x1;
	v3 =	vadd.s32 $0xF, v3;
	s7 =	simm.s32 $0x80;
	s8 =	simm.s32 $0x400;
	s6 =	smax.u32 s6, $0x1  }
.LBB2_1:
0xc: {  	v4 =	vimm.s32 $0x0;
	s14 =	simm.s32 $0x0  }
.LBB2_2:
0xd: {  	s15 =	sshll.u32 s14, $0x7  }
0xe: {  	s15 =	sadd.s32 s4, s15  }
0xf: {  	s15 =	sshrl.u32 s15, $0x3  }
0x10: {  	_ =	strace $0x80000048;
	s15 =	sadd.s32 s3, s15  }
0x11: {  	[tilespmem:s1], [sflag:$0x1] =	stream.strided.gather [hbm4b:s15+s7], $0x18700, s8, s7, $0x200038;
	[tilespmem:$0x1CB80] =	vst v63  }
0x12: {  	_ =	swait.ge [sflag:s9], $0x18700  }
0x13: {  	[sflag:s9] =	ssyncset.done $0x0  }
0x14: {  	[sflag:s9] =	ssyncadd.s32 $0xFFFE7900  }
0x15: {  	s15 =	simm.s32 $0x18740;
	_ =	strace $0x90000048  }
0x16: {  	_ =	strace $0x80000049;
	[tilespmem:s15+$0xFFFFFFC0] =	vst v1  }
0x17: {  	[tilespmem:s15+$0x30] =	vst v1  }
0x18: {  	[tilespmem:s15+$0x20] =	vst v1  }
0x19: {  	[tilespmem:s15+$0x10] =	vst v1  }
0x1a: {  	[tilespmem:s15+$0x0] =	vst v1  }
0x1b: {  	[tilespmem:s15+$0xFFFFFFF0] =	vst v1  }
0x1c: {  	s16 =	simm.s32 $0x0;
	[tilespmem:s15+$0xFFFFFFE0] =	vst v1  }
.LBB2_3:
0x1d: {  	s16 =	sadd.s32 $0x8, s16;
	[tilespmem:s15+$0xFFFFFFD0] =	vst v1;
	s15 =	sadd.s32 $0x80, s15  }
0x1e: {  	[tilespmem:s15+$0xFFFFFFC0] =	vst v1;
	p0 =	slt.u32 s16, $0x3F8  }
0x1f: {  	[tilespmem:s15+$0x30] =	vst v1  }
.Ltmp0:
0x20: {  	[tilespmem:s15+$0x20] =	vst v1;
	(pc) =	sbr.rel @p0 .LBB2_3-.Ltmp0, $4  }
0x21: {  	[tilespmem:s15+$0x10] =	vst v1  }
0x22: {  	[tilespmem:s15+$0x0] =	vst v1  }
0x23: {  	[tilespmem:s15+$0xFFFFFFF0] =	vst v1  }
0x24: {  	[tilespmem:s15+$0xFFFFFFE0] =	vst v1  }
0x25: {  	[tilespmem:s15+$0xFFFFFFD0] =	vst v1  }
0x26: {  	_ =	strace $0x90000049  }
0x27: {  	s15 =	simm.s32 $0x50;
	_ =	strace $0x8000004A  }
0x28: {  	s16 =	simm.s32 $0x0;
	v5 =	vld [tilespmem:s15+$0x20]  }
0x29: {  	s17 =	sand.u32 $0x1FFE0, s16;
	v6 =	vld [tilespmem:s15+$0x40]  }
0x2a: {  	v9 =	vld [tilespmem:s17+$0x80]  }
0x2b: {  	v7 =	vld [tilespmem:s15+$0xFFFFFFE0]  }
0x2c: {  	v13 =	vld [tilespmem:s15+$0xFFFFFFF0]  }
0x2d: {  	v15 =	vld [tilespmem:s15+$0x0];
	v8 =	vshra.s32 v5, $0x1F  }
0x2e: {  	v14 =	vimm.s32 $0x0;
	v10 =	vshra.s32 v6, $0x1F;
	v8 =	vand.u32 $0x7FFFFFFF, v8  }
0x2f: {  	v12 =	vld [tilespmem:s15+$0xFFFFFFC0];
	v16 =	vshra.s32 v9, $0x1F;
	v10 =	vand.u32 $0x7FFFFFFF, v10;
	v8 =	vxor.u32 v5, v8  }
0x30: {  	v17 =	vshra.s32 v7, $0x1F;
	v10 =	vxor.u32 v6, v10;
	v5 =	vshra.s32 v8, $0x12  }
0x31: {  	v18 =	vshra.s32 v13, $0x1F;
	v11 =	vshra.s32 v10, $0x12;
	v6 =	vadd.s32 $0x2000, v5  }
0x32: {  	v19 =	vshra.s32 v15, $0x1F;
	v17 =	vand.u32 $0x7FFFFFFF, v17;
	v5 =	vadd.s32 $0x2000, v11;
	v11 =	vld [tilespmem:s15+$0xFFFFFFD0]  }
0x33: {  	v21 =	vand.u32 $0x7FFFFFFF, v16;
	v19 =	vand.u32 $0x7FFFFFFF, v19;
	v16 =	vxor.u32 v7, v17;
	[tilespmem:s15+$0x40] =	vst v10  }
0x34: {  	v7 =	vand.u32 $0x7FFFFFFF, v18;
	v17 =	vshra.s32 v12, $0x1F;
	v18 =	vxor.u32 v9, v21;
	v10 =	vld [tilespmem:s15+$0x10];
	[tilespmem:s15+$0x20] =	vst v8  }
0x35: {  	v20 =	vxor.u32 v15, v19;
	v15 =	vld [tilespmem:s15+$0xFFFFFFB0];
	v8 =	vshra.s32 v16, $0x12;
	v13 =	vxor.u32 v13, v7;
	[tilespmem:s17+$0x80] =	vst v18  }
0x36: {  	v9 =	vshra.s32 v20, $0x12;
	v8 =	vadd.s32 $0x2000, v8;
	v7 =	vshra.s32 v13, $0x12;
	[tilespmem:v6+s10+$0x0] =	vst.idx.add.s32.msk $0xffff, v2  }
0x37: {  	s18 =	simm.s32 $0xF0;
	s16 =	simm.s32 $0x0;
	s17 =	simm.s32 $0xA0;
	v9 =	vadd.s32 $0x2000, v9;
	v7 =	vadd.s32 $0x2000, v7;
	[tilespmem:v5+s10+$0x0] =	vst.idx.add.s32.msk $0xffff, v2;
	v19 =	vshra.s32 v11, $0x1F  }
.LBB2_5:
0x38: {  	s19 =	sand.u32 $0x1FFE0, s17;
	v21 =	vld [tilespmem:s18+$0x40];
	s16 =	sadd.s32 $0xA, s16;
	v17 =	vand.u32 $0x7FFFFFFF, v17;
	[tilespmem:s15+$0x0] =	vst v20;
	v18 =	vshra.s32 v18, $0x12  }
0x39: {  	v20 =	vld [tilespmem:s18+$0xFFFFFFE0];
	p0 =	slt.u32 s16, $0x1860;
	v12 =	vxor.u32 v12, v17;
	[tilespmem:s15+$0xFFFFFFE0] =	vst v16;
	v16 =	vshra.s32 v10, $0x1F  }
0x3a: {  	v22 =	vshra.s32 v15, $0x1F;
	v19 =	vand.u32 $0x7FFFFFFF, v19;
	v17 =	vld [tilespmem:s18+$0x20];
	v16 =	vand.u32 $0x7FFFFFFF, v16  }
0x3b: {  	v22 =	vand.u32 $0x7FFFFFFF, v22;
	v23 =	vld [tilespmem:s19+$0x80];
	[tilespmem:s15+$0xFFFFFFC0] =	vst v12;
	v12 =	vshra.s32 v12, $0x12;
	v10 =	vxor.u32 v10, v16  }
0x3c: {  	v15 =	vxor.u32 v15, v22;
	v24 =	vld [tilespmem:s18+$0x0];
	v16 =	vadd.s32 $0x2000, v12;
	[tilespmem:s15+$0x10] =	vst v10;
	v10 =	vshra.s32 v10, $0x12  }
0x3d: {  	v11 =	vxor.u32 v11, v19;
	v12 =	vshra.s32 v15, $0x12;
	v22 =	vld [tilespmem:s18+$0xFFFFFFF0];
	[tilespmem:s15+$0xFFFFFFB0] =	vst v15;
	v19 =	vadd.s32 $0x2000, v10  }
0x3e: {  	v26 =	vadd.s32 $0x2000, v18;
	v15 =	vshra.s32 v21, $0x1F;
	v25 =	vadd.s32 $0x2000, v12;
	[tilespmem:v9+s10+$0x0] =	vst.idx.add.s32.msk $0xffff, v2  }
0x3f: {  	v15 =	vand.u32 $0x7FFFFFFF, v15;
	vm0 =	vgt.s32 v14, v25;
	v10 =	vld [tilespmem:s18+$0x10];
	v18 =	vshra.s32 v17, $0x1F;
	[tilespmem:s15+$0xFFFFFFD0] =	vst v11  }
0x40: {  	v21 =	vxor.u32 v21, v15;
	v14 =	vsel vm0, v14, v25;
	v12 =	vld [tilespmem:s18+$0xFFFFFFC0];
	v18 =	vand.u32 $0x7FFFFFFF, v18;
	[tilespmem:s15+$0xFFFFFFF0] =	vst v13;
	s15 =	smov.u32 s18  }
0x41: {  	v11 =	vshra.s32 v11, $0x12;
	v15 =	vld [tilespmem:s18+$0xFFFFFFB0];
	v13 =	vxor.u32 v17, v18;
	[tilespmem:s18+$0x40] =	vst v21;
	v17 =	vshra.s32 v21, $0x12  }
0x42: {  	v14 =	vmax.u32 v14, v16;
	v21 =	vshra.s32 v23, $0x1F;
	v18 =	vshra.s32 v13, $0x12;
	[tilespmem:v8+s10+$0x0] =	vst.idx.add.s32.msk $0xffff, v2  }
0x43: {  	v28 =	vadd.s32 $0x2000, v11;
	v27 =	vshra.s32 v22, $0x1F;
	v21 =	vand.u32 $0x7FFFFFFF, v21;
	[tilespmem:v16+s10+$0x0] =	vst.idx.add.s32.msk $0xffff, v2  }
0x44: {  	v16 =	vshra.s32 v24, $0x1F;
	v29 =	vadd.s32 $0x2000, v18;
	v11 =	vld [tilespmem:s18+$0xFFFFFFD0];
	[tilespmem:s18+$0x20] =	vst v13;
	v13 =	vmax.u32 v14, v28  }
0x45: {  	v30 =	vadd.s32 $0x2000, v17;
	v14 =	vshra.s32 v20, $0x1F;
	v8 =	vmax.u32 v13, v8;
	[tilespmem:v19+s10+$0x0] =	vst.idx.add.s32.msk $0xffff, v2  }
0x46: {  	v13 =	vand.u32 $0x7FFFFFFF, v14;
	v14 =	vand.u32 $0x7FFFFFFF, v16;
	v8 =	vmax.u32 v8, v7;
	[tilespmem:v26+s10+$0x0] =	vst.idx.add.s32.msk $0xffff, v2  }
0x47: {  	v16 =	vxor.u32 v20, v13;
	v13 =	vand.u32 $0x7FFFFFFF, v27;
	[tilespmem:v25+s10+$0x0] =	vst.idx.add.s32.msk $0xffff, v2;
	v8 =	vmax.u32 v8, v9  }
.Ltmp1:
0x48: {  	v17 =	vshra.s32 v12, $0x1F;
	v9 =	vshra.s32 v16, $0x12;
	[tilespmem:v28+s10+$0x0] =	vst.idx.add.s32.msk $0xffff, v2;
	v19 =	vmax.u32 v8, v19;
	(pc) =	sbr.rel @p0 .LBB2_5-.Ltmp1, $4  }
0x49: {  	v18 =	vxor.u32 v23, v21;
	v13 =	vxor.u32 v22, v13;
	v8 =	vadd.s32 $0x2000, v9;
	[tilespmem:v29+s10+$0x0] =	vst.idx.add.s32.msk $0xffff, v2  }
0x4a: {  	v20 =	vxor.u32 v24, v14;
	v9 =	vshra.s32 v13, $0x12;
	v19 =	vmax.u32 v19, v6;
	[tilespmem:v7+s10+$0x0] =	vst.idx.add.s32.msk $0xffff, v2  }
0x4b: {  	v6 =	vmovc v29;
	v7 =	vadd.s32 $0x2000, v9;
	v9 =	vshra.s32 v20, $0x12;
	v14 =	vmax.u32 v19, v26;
	[tilespmem:v30+s10+$0x0] =	vst.idx.add.s32.msk $0xffff, v2  }
0x4c: {  	s17 =	sadd.s32 $0xA0, s17;
	s18 =	sadd.s32 $0xA0, s18;
	v19 =	vshra.s32 v11, $0x1F;
	v9 =	vadd.s32 $0x2000, v9;
	v14 =	vmax.u32 v14, v5;
	v5 =	vmovc v30;
	[tilespmem:s19+$0x80] =	vst v18  }
0x4d: {  	_ = 	snop  }
0x4e: {  	[tilespmem:s15+$0x0] =	vst v20;
	v21 =	vshra.s32 v15, $0x1F  }
0x4f: {  	v17 =	vand.u32 $0x7FFFFFFF, v17;
	v54 =	vshra.s32 v10, $0x1F;
	[tilespmem:s15+$0xFFFFFFE0] =	vst v16;
	v56 =	vand.u32 $0x7FFFFFFF, v21  }
0x50: {  	v18 =	vshra.s32 v18, $0x12;
	v59 =	vand.u32 $0x7FFFFFFF, v19;
	[tilespmem:s15+$0xFFFFFFF0] =	vst v13;
	v58 =	vxor.u32 v15, v56  }
0x51: {  	v12 =	vxor.u32 v12, v17;
	v55 =	vand.u32 $0x7FFFFFFF, v54;
	[tilespmem:v9+s10+$0x0] =	vst.idx.add.s32.msk $0xffff, v2;
	v17 =	vshra.s32 v58, $0x12  }
0x52: {  	v11 =	vxor.u32 v11, v59;
	v61 =	vadd.s32 $0x2000, v18;
	[tilespmem:v8+s10+$0x0] =	vst.idx.add.s32.msk $0xffff, v2;
	v60 =	vadd.s32 $0x2000, v17  }
0x53: {  	[tilespmem:s15+$0xFFFFFFC0] =	vst v12;
	v57 =	vxor.u32 v10, v55;
	v12 =	vshra.s32 v12, $0x12;
	vm0 =	vgt.s32 v14, v60  }
0x54: {  	[tilespmem:s15+$0xFFFFFFD0] =	vst v11;
	v11 =	vshra.s32 v11, $0x12;
	v12 =	vadd.s32 $0x2000, v12;
	v14 =	vsel vm0, v14, v60  }
0x55: {  	[tilespmem:v7+s10+$0x0] =	vst.idx.add.s32.msk $0xffff, v2;
	v10 =	vshra.s32 v57, $0x12;
	v11 =	vadd.s32 $0x2000, v11;
	v62 =	vmax.u32 v14, v12  }
0x56: {  	[tilespmem:s15+$0x10] =	vst v57;
	v10 =	vadd.s32 $0x2000, v10;
	v13 =	vmax.u32 v62, v11  }
0x57: {  	[tilespmem:s15+$0xFFFFFFB0] =	vst v58;
	v63 =	vmax.u32 v13, v8  }
0x58: {  	[tilespmem:v61+s10+$0x0] =	vst.idx.add.s32.msk $0xffff, v2;
	v8 =	vmax.u32 v63, v7  }
0x59: {  	[tilespmem:v12+s10+$0x0] =	vst.idx.add.s32.msk $0xffff, v2;
	v8 =	vmax.u32 v8, v9  }
0x5a: {  	[tilespmem:v11+s10+$0x0] =	vst.idx.add.s32.msk $0xffff, v2;
	v8 =	vmax.u32 v8, v10  }
0x5b: {  	[tilespmem:v10+s10+$0x0] =	vst.idx.add.s32.msk $0xffff, v2;
	v6 =	vmax.u32 v8, v6  }
0x5c: {  	[tilespmem:v60+s10+$0x0] =	vst.idx.add.s32.msk $0xffff, v2;
	v6 =	vmax.u32 v6, v61  }
0x5d: {  	_ =	strace $0x9000004A;
	v5 =	vmax.u32 v6, v5  }
0x5e: {  	_ =	strace $0x8000004B;
	v5 =	vxor.u32 $0x80000000, v5  }
0x5f: {  	(xrf0) =	vmax.scan.msk.u32 $0xffff, v5;
	_ =	sdelay $0x5  }
0x60: {  	v5, _, _ =	vpop (xrf0)  }
0x61: {  	(v2sf) =	vpush v5, $0xF;
	_ =	sdelay $0xe  }
0x62: {  	s31 =	spop (v2sf)  }
0x63: {  	s16 =	sshrl.u32 s31, $0x4  }
0x64: {  	s18 =	sxor.u32 $0x8000000, s16  }
0x65: {  	s16 =	sshll.u32 s18, $0x4  }
0x66: {  	s15 =	sand.u32 $0x70, s31;
	s17 =	sand.u32 $0xFFFFFF80, s16  }
0x67: {  	s15 =	sor.u32 s15, s17  }
0x68: {  	v5 =	vld [tilespmem:s15+$0x18700];
	_ =	sdelay $0x4  }
0x69: {  	(xrf0) =	vadd.scan.msk.s32 $0xffff, v5;
	_ =	sdelay $0x5  }
0x6a: {  	v5, _, _ =	vpop (xrf0)  }
0x6b: {  	(v2sf) =	vpush v5, $0xF;
	_ =	sdelay $0xe  }
0x6c: {  	s17 =	spop (v2sf)  }
0x6d: {  	p0 =	sgt.s32 s17, $0x63  }
.Ltmp2:
0x6e: {  	_ = 	snop;
	(pc) =	sbr.rel @p0 .LBB2_9-.Ltmp2, $2  }
0x6f: {  	_ =	sdelay $0x2  }
0x70: {  	s15 =	simm.s32 $0x0  }
0x71: {  	s15 =	sshll.u32 s18, $0x6  }
0x72: {  	s15 =	sshra.s32 s15, $0x2  }
0x73: {  	s16 =	sshll.u32 s18, $0x4;
	s18 =	sadd.s32 $0x186F0, s15  }
.LBB2_8:
0x74: {  	v5 =	vld [tilespmem:s18+$0x0];
	_ =	sdelay $0x4  }
0x75: {  	(xrf0) =	vadd.scan.msk.s32 $0xffff, v5;
	_ =	sdelay $0x5  }
0x76: {  	v5, _, _ =	vpop (xrf0)  }
0x77: {  	(v2sf) =	vpush v5, $0xF;
	_ =	sdelay $0xe  }
0x78: {  	s15 =	smov.u32 s17;
	s31 =	spop (v2sf)  }
0x79: {  	s17 =	sadd.s32 s15, s31  }
0x7a: {  	p0 =	slt.s32 s17, $0x64  }
.Ltmp3:
0x7b: {  	_ = 	snop;
	(pc) =	sbr.rel @p0 .LBB2_8-.Ltmp3, $2  }
0x7c: {  	_ =	sdelay $0x2  }
0x7d: {  	s16 =	sadd.s32 $0xFFFFFFF0, s16;
	s18 =	sadd.s32 $0xFFFFFFF0, s18  }
.LBB2_9:
0x7e: {  	v5 =	vld [tilespmem:s16+$0x18700];
	_ =	sdelay $0x4  }
0x7f: {  	v6 =	vperm.xlane v5, v3;
	_ =	sdelay $0x1  }
0x80: {  	(xrf0) =	vadd.scan.msk.s32 $0xffff, v6;
	_ =	sdelay $0x5  }
0x81: {  	v6, _, _ =	vpop (xrf0)  }
0x82: {  	s18 =	simm.s32 $0x18740;
	_ =	strace $0x9000004B  }
0x83: {  	_ =	strace $0x8000004C;
	[tilespmem:s18+$0xFFFFFFC0] =	vst v1  }
0x84: {  	[tilespmem:s18+$0x30] =	vst v1  }
0x85: {  	[tilespmem:s18+$0x20] =	vst v1  }
0x86: {  	[tilespmem:s18+$0x10] =	vst v1  }
0x87: {  	[tilespmem:s18+$0x0] =	vst v1  }
0x88: {  	[tilespmem:s18+$0xFFFFFFF0] =	vst v1  }
0x89: {  	s19 =	simm.s32 $0x0;
	v6 =	vperm.xlane v6, v3;
	[tilespmem:s18+$0xFFFFFFE0] =	vst v1  }
.LBB2_10:
0x8a: {  	s19 =	sadd.s32 $0x8, s19;
	[tilespmem:s18+$0xFFFFFFD0] =	vst v1;
	s18 =	sadd.s32 $0x80, s18;
	s17 =	simm.s32 $0x1C740  }
0x8b: {  	[tilespmem:s18+$0xFFFFFFC0] =	vst v1;
	p0 =	slt.u32 s19, $0x3F8  }
0x8c: {  	[tilespmem:s18+$0x30] =	vst v1  }
.Ltmp4:
0x8d: {  	[tilespmem:s18+$0x20] =	vst v1;
	(pc) =	sbr.rel @p0 .LBB2_10-.Ltmp4, $4  }
0x8e: {  	[tilespmem:s18+$0x10] =	vst v1  }
0x8f: {  	[tilespmem:s18+$0x0] =	vst v1  }
0x90: {  	[tilespmem:s18+$0xFFFFFFF0] =	vst v1  }
0x91: {  	[tilespmem:s18+$0xFFFFFFE0] =	vst v1  }
0x92: {  	[tilespmem:s18+$0xFFFFFFD0] =	vst v1  }
0x93: {  	[tilespmem:s17+$0xFFFFFFC0] =	vst v1  }
0x94: {  	[tilespmem:s17+$0x30] =	vst v1  }
0x95: {  	[tilespmem:s17+$0x20] =	vst v1  }
0x96: {  	[tilespmem:s17+$0x10] =	vst v1  }
0x97: {  	[tilespmem:s17+$0x0] =	vst v1  }
0x98: {  	[tilespmem:s17+$0xFFFFFFF0] =	vst v1  }
0x99: {  	s18 =	simm.s32 $0x0;
	[tilespmem:s17+$0xFFFFFFE0] =	vst v1  }
.LBB2_12:
0x9a: {  	s18 =	sadd.s32 $0x8, s18;
	[tilespmem:s17+$0xFFFFFFD0] =	vst v1;
	s17 =	sadd.s32 $0x80, s17  }
0x9b: {  	[tilespmem:s17+$0xFFFFFFC0] =	vst v1;
	p0 =	slt.u32 s18, $0x38  }
0x9c: {  	[tilespmem:s17+$0x30] =	vst v1  }
.Ltmp5:
0x9d: {  	[tilespmem:s17+$0x20] =	vst v1;
	(pc) =	sbr.rel @p0 .LBB2_12-.Ltmp5, $4  }
0x9e: {  	[tilespmem:s17+$0x10] =	vst v1  }
0x9f: {  	[tilespmem:s17+$0x0] =	vst v1  }
0xa0: {  	[tilespmem:s17+$0xFFFFFFF0] =	vst v1  }
0xa1: {  	[tilespmem:s17+$0xFFFFFFE0] =	vst v1  }
0xa2: {  	v6 =	vadd.s32 s15, v6  }
0xa3: {  	vm0 =	vgt.s32 v6, $0x63  }
0xa4: {  	v6 =	vsel vm0, $0x1, v1  }
0xa5: {  	(xrf0) =	vadd.scan.msk.s32 $0xffff, v6;
	_ =	sdelay $0x5  }
0xa6: {  	v6, _, _ =	vpop (xrf0)  }
0xa7: {  	(v2sf) =	vpush v6, $0xF;
	_ =	sdelay $0xe  }
0xa8: {  	[tilespmem:s17+$0xFFFFFFD0] =	vst v1;
	s31 =	spop (v2sf)  }
0xa9: {  	_ =	strace $0x9000004C  }
0xaa: {  	s18 =	simm.s32 $0x50;
	_ =	strace $0x8000004D  }
0xab: {  	s19 =	simm.s32 $0x0;
	v8 =	vld [tilespmem:s18+$0x0]  }
0xac: {  	s19 =	sand.u32 $0x1FFE0, s19;
	v11 =	vld [tilespmem:s18+$0xFFFFFFE0]  }
0xad: {  	v21 =	vld [tilespmem:s19+$0x80]  }
0xae: {  	v19 =	vld [tilespmem:s18+$0x40]  }
0xaf: {  	v14 =	vld [tilespmem:s18+$0xFFFFFFF0]  }
0xb0: {  	s16 =	sadd.s32 s31, s16;
	v18 =	vld [tilespmem:s18+$0x20]  }
0xb1: {  	s16 =	sadd.s32 $0xFFFFDFFF, s16;
	v20 =	vld [tilespmem:s18+$0xFFFFFFD0]  }
0xb2: {  	v6 =	vmov s16  }
0xb3: {  	v7 =	vshrl.u32 v11, $0x8;
	v22 =	vshrl.u32 v21, $0x4;
	v12 =	vshrl.u32 v8, $0x4  }
0xb4: {  	v13 =	vld [tilespmem:s18+$0xFFFFFFC0];
	v16 =	vshrl.u32 v8, $0x8;
	v24 =	vshra.s32 v14, $0x12;
	v10 =	vshrl.u32 v14, $0x4  }
0xb5: {  	v15 =	vshra.s32 v8, $0x12;
	v17 =	vshra.s32 v18, $0x12;
	v25 =	vshrl.u32 v19, $0x8  }
0xb6: {  	v9 =	vshrl.u32 v20, $0x4;
	v26 =	vshrl.u32 v11, $0x4;
	v27 =	vshrl.u32 v18, $0x4  }
0xb7: {  	v23 =	vshrl.u32 v19, $0x4;
	v28 =	vshra.s32 v11, $0x12;
	v29 =	vshra.s32 v19, $0x12  }
0xb8: {  	v19 =	vshra.s32 v20, $0x12;
	v63 =	vshra.s32 v21, $0x12;
	v21 =	vshrl.u32 v21, $0x8  }
0xb9: {  	v8 =	vand.u32 $0x3FF, v16;
	vm3 =	veq.s32 v17, v6;
	v17 =	vshrl.u32 v13, $0x4  }
0xba: {  	v16 =	vshra.s32 v13, $0x12;
	v13 =	vshrl.u32 v13, $0x8;
	v23 =	vand.u32 $0x3FFF, v23  }
0xbb: {  	v11 =	vand.u32 $0x3FFF, v26;
	vm8 =	veq.s32 v29, v6;
	v22 =	vand.u32 $0x3FFF, v22  }
0xbc: {  	v25 =	vand.u32 $0x3FF, v25;
	vm6 =	veq.s32 v16, v6;
	v16 =	vshrl.u32 v20, $0x8;
	v20 =	vld [tilespmem:s18+$0x10]  }
0xbd: {  	vm1 =	veq.s32 v28, v6;
	vm2 =	veq.s32 v24, v6;
	v26 =	vand.u32 $0x3FFF, v27  }
0xbe: {  	s17 =	simm.s32 $0x0;
	s19 =	simm.s32 $0xF0;
	v24 =	vld [tilespmem:s18+$0xFFFFFFB0];
	vm4 =	veq.s32 v63, v6;
	v21 =	vand.u32 $0x3FF, v21;
	v17 =	vand.u32 $0x3FFF, v17;
	s18 =	simm.s32 $0xA0  }
.LBB2_14:
0xbf: {  	v27 =	vld [tilespmem:s19+$0x0];
	s20 =	sand.u32 $0x1FFE0, s18;
	s17 =	sadd.s32 $0xA, s17;
	v28 =	vshrl.u32 v14, $0x8;
	v14 =	vshrl.u32 v18, $0x8;
	vm5 =	vmmov vm6  }
0xc0: {  	v29 =	vld [tilespmem:s19+$0xFFFFFFD0];
	p0 =	slt.u32 s17, $0x1860;
	v14 =	vand.u32 $0x3FF, v14  }
0xc1: {  	v18 =	vshra.s32 v20, $0x12;
	v30 =	vshrl.u32 v20, $0x4;
	v20 =	vshrl.u32 v20, $0x8;
	[tilespmem:v23+s10+$0x0] =	vst.idx.add.s32.msk vm8, v2  }
0xc2: {  	vm9 =	veq.s32 v18, v6;
	v18 =	vand.u32 $0x3FFF, v30;
	[tilespmem:v25+s11+$0x0] =	vst.idx.add.s32.msk vm8, v2  }
0xc3: {  	v23 =	vshra.s32 v24, $0x12;
	v25 =	vshrl.u32 v24, $0x4;
	v24 =	vshrl.u32 v24, $0x8;
	[tilespmem:v26+s10+$0x0] =	vst.idx.add.s32.msk vm3, v2  }
0xc4: {  	v26 =	vld [tilespmem:s19+$0xFFFFFFE0];
	vm6 =	veq.s32 v23, v6;
	v23 =	vand.u32 $0x3FF, v20  }
0xc5: {  	v25 =	vand.u32 $0x3FFF, v25;
	v30 =	vld [tilespmem:s20+$0x80]  }
0xc6: {  	v24 =	vand.u32 $0x3FF, v24;
	v31 =	vld [tilespmem:s19+$0x40]  }
0xc7: {  	[tilespmem:v14+s11+$0x0] =	vst.idx.add.s32.msk vm3, v2  }
0xc8: {  	v33 =	vand.u32 $0x3FFF, v12;
	v32 =	vld [tilespmem:s19+$0xFFFFFFC0]  }
0xc9: {  	v34 =	vshrl.u32 v26, $0x8;
	[tilespmem:v22+s10+$0x0] =	vst.idx.add.s32.msk vm4, v2  }
0xca: {  	vm8 =	veq.s32 v15, v6;
	[tilespmem:v18+s10+$0x0] =	vst.idx.add.s32.msk vm9, v2  }
0xcb: {  	vm7 =	veq.s32 v19, v6;
	v20 =	vld [tilespmem:s19+$0x10]  }
0xcc: {  	[tilespmem:v23+s11+$0x0] =	vst.idx.add.s32.msk vm9, v2  }
0xcd: {  	v14 =	vld [tilespmem:s19+$0xFFFFFFF0]  }
0xce: {  	v35 =	vand.u32 $0x3FF, v16;
	v18 =	vld [tilespmem:s19+$0x20]  }
0xcf: {  	v16 =	vand.u32 $0x3FFF, v10;
	v22 =	vshrl.u32 v30, $0x4;
	[tilespmem:v25+s10+$0x0] =	vst.idx.add.s32.msk vm6, v2  }
0xd0: {  	v36 =	vand.u32 $0x3FF, v13;
	v13 =	vand.u32 $0x3FF, v28;
	[tilespmem:v17+s10+$0x0] =	vst.idx.add.s32.msk vm5, v2  }
0xd1: {  	v19 =	vand.u32 $0x3FF, v7;
	v12 =	vshrl.u32 v27, $0x4;
	v7 =	vmovc v34;
	v17 =	vshrl.u32 v27, $0x8;
	[tilespmem:v21+s11+$0x0] =	vst.idx.add.s32.msk vm4, v2  }
0xd2: {  	v15 =	vshra.s32 v27, $0x12;
	v21 =	vshra.s32 v14, $0x12;
	v10 =	vshrl.u32 v14, $0x4;
	[tilespmem:v33+s10+$0x0] =	vst.idx.add.s32.msk vm8, v2  }
0xd3: {  	v25 =	vshrl.u32 v31, $0x8;
	v23 =	vshra.s32 v18, $0x12;
	[tilespmem:v24+s11+$0x0] =	vst.idx.add.s32.msk vm6, v2;
	v24 =	vand.u32 $0x3FFF, v9  }
0xd4: {  	v17 =	vand.u32 $0x3FF, v17;
	v9 =	vshrl.u32 v29, $0x4;
	vm3 =	veq.s32 v23, v6;
	[tilespmem:v16+s10+$0x0] =	vst.idx.add.s32.msk vm2, v2  }
0xd5: {  	v28 =	vshrl.u32 v26, $0x4;
	v27 =	vshrl.u32 v32, $0x4;
	v33 =	vshrl.u32 v18, $0x4;
	[tilespmem:v13+s11+$0x0] =	vst.idx.add.s32.msk vm2, v2  }
0xd6: {  	v16 =	vshra.s32 v32, $0x12;
	v23 =	vshrl.u32 v31, $0x4;
	v13 =	vshrl.u32 v32, $0x8;
	[tilespmem:v11+s10+$0x0] =	vst.idx.add.s32.msk vm1, v2  }
0xd7: {  	vm6 =	veq.s32 v16, v6;
	v16 =	vshrl.u32 v29, $0x8;
	v23 =	vand.u32 $0x3FFF, v23;
	[tilespmem:v8+s11+$0x0] =	vst.idx.add.s32.msk vm8, v2;
	v8 =	vmovc v17  }
.Ltmp6:
0xd8: {  	v26 =	vshra.s32 v26, $0x12;
	v17 =	vand.u32 $0x3FFF, v27;
	v27 =	vshra.s32 v31, $0x12;
	[tilespmem:v19+s11+$0x0] =	vst.idx.add.s32.msk vm1, v2;
	(pc) =	sbr.rel @p0 .LBB2_14-.Ltmp6, $4  }
0xd9: {  	v11 =	vand.u32 $0x3FFF, v28;
	v19 =	vshra.s32 v29, $0x12;
	vm8 =	veq.s32 v27, v6;
	[tilespmem:v24+s10+$0x0] =	vst.idx.add.s32.msk vm7, v2  }
0xda: {  	v22 =	vand.u32 $0x3FFF, v22;
	v25 =	vand.u32 $0x3FF, v25;
	v27 =	vshra.s32 v30, $0x12;
	[tilespmem:v36+s11+$0x0] =	vst.idx.add.s32.msk vm5, v2  }
0xdb: {  	vm2 =	veq.s32 v21, v6;
	v21 =	vshrl.u32 v30, $0x8;
	vm1 =	veq.s32 v26, v6;
	[tilespmem:v35+s11+$0x0] =	vst.idx.add.s32.msk vm7, v2  }
0xdc: {  	s18 =	sadd.s32 $0xA0, s18;
	v21 =	vand.u32 $0x3FF, v21;
	v26 =	vand.u32 $0x3FFF, v33;
	vm4 =	veq.s32 v27, v6;
	v24 =	vld [tilespmem:s19+$0xFFFFFFB0];
	s19 =	sadd.s32 $0xA0, s19  }
0xdd: {  	_ = 	snop  }
0xde: {  	v5 =	vsel vm0, $0x0, v5  }
0xdf: {  	v18 =	vshrl.u32 v18, $0x8;
	(xrf0) =	vadd.scan.msk.s32 $0xffff, v5  }
0xe0: {  	v5 =	vand.u32 $0x3FF, v18;
	_ =	sdelay $0x1  }
0xe1: {  	[tilespmem:v23+s10+$0x0] =	vst.idx.add.s32.msk vm8, v2  }
0xe2: {  	[tilespmem:v26+s10+$0x0] =	vst.idx.add.s32.msk vm3, v2  }
0xe3: {  	vm6 =	vmmov vm6;
	[tilespmem:v22+s10+$0x0] =	vst.idx.add.s32.msk vm4, v2;
	v10 =	vand.u32 $0x3FFF, v10  }
0xe4: {  	v57 =	vshra.s32 v20, $0x12;
	v27 =	vshrl.u32 v20, $0x4;
	vm14 =	veq.s32 v15, v6;
	[tilespmem:v5+s11+$0x0] =	vst.idx.add.s32.msk vm3, v2;
	v5, _, _ =	vpop (xrf0)  }
0xe5: {  	v12 =	vand.u32 $0x3FFF, v12;
	v14 =	vshrl.u32 v14, $0x8;
	[tilespmem:v11+s10+$0x0] =	vst.idx.add.s32.msk vm1, v2;
	(v2sf) =	vpush v5, $0xF  }
0xe6: {  	vm13 =	veq.s32 v57, v6;
	[tilespmem:v25+s11+$0x0] =	vst.idx.add.s32.msk vm8, v2;
	v14 =	vand.u32 $0x3FF, v14;
	v60 =	vshra.s32 v24, $0x12  }
0xe7: {  	v59 =	vand.u32 $0x3FFF, v27;
	[tilespmem:v21+s11+$0x0] =	vst.idx.add.s32.msk vm4, v2;
	v61 =	vshrl.u32 v24, $0x4;
	vm5 =	veq.s32 v60, v6  }
0xe8: {  	v62 =	vand.u32 $0x3FFF, v61;
	[tilespmem:v10+s10+$0x0] =	vst.idx.add.s32.msk vm2, v2;
	v5 =	vshrl.u32 v24, $0x8  }
0xe9: {  	[tilespmem:v17+s10+$0x0] =	vst.idx.add.s32.msk vm6, v2;
	v5 =	vand.u32 $0x3FF, v5  }
0xea: {  	v58 =	vshrl.u32 v20, $0x8;
	[tilespmem:v12+s10+$0x0] =	vst.idx.add.s32.msk vm14, v2  }
0xeb: {  	v18 =	vand.u32 $0x3FF, v58;
	[tilespmem:v14+s11+$0x0] =	vst.idx.add.s32.msk vm2, v2  }
0xec: {  	vm15 =	veq.s32 v19, v6;
	v6 =	vand.u32 $0x3FF, v7;
	[tilespmem:v59+s10+$0x0] =	vst.idx.add.s32.msk vm13, v2  }
0xed: {  	v7 =	vand.u32 $0x3FF, v13;
	[tilespmem:v62+s10+$0x0] =	vst.idx.add.s32.msk vm5, v2  }
0xee: {  	[tilespmem:v5+s11+$0x0] =	vst.idx.add.s32.msk vm5, v2;
	v5 =	vand.u32 $0x3FFF, v9  }
0xef: {  	v63 =	vand.u32 $0x3FF, v16;
	[tilespmem:v8+s11+$0x0] =	vst.idx.add.s32.msk vm14, v2  }
0xf0: {  	[tilespmem:v18+s11+$0x0] =	vst.idx.add.s32.msk vm13, v2  }
0xf1: {  	[tilespmem:v6+s11+$0x0] =	vst.idx.add.s32.msk vm1, v2  }
0xf2: {  	[tilespmem:v7+s11+$0x0] =	vst.idx.add.s32.msk vm6, v2  }
0xf3: {  	[tilespmem:v5+s10+$0x0] =	vst.idx.add.s32.msk vm15, v2  }
0xf4: {  	[tilespmem:v63+s11+$0x0] =	vst.idx.add.s32.msk vm15, v2;
	s17 =	spop (v2sf)  }
0xf5: {  	_ =	strace $0x9000004D  }
0xf6: {  	_ =	strace $0x8000004E  }
0xf7: {  	v5 =	vld [tilespmem:$0x1CAF0];
	_ =	sdelay $0x4  }
0xf8: {  	(xrf0) =	vadd.scan.msk.s32 $0xffff, v5;
	_ =	sdelay $0x5  }
0xf9: {  	v5, _, _ =	vpop (xrf0)  }
0xfa: {  	(v2sf) =	vpush v5, $0xF;
	_ =	sdelay $0xd  }
0xfb: {  	s15 =	sadd.s32 s17, s15  }
0xfc: {  	s15 =	ssub.s32 $0x64, s15;
	s20 =	spop (v2sf)  }
0xfd: {  	p0 =	sge.s32 s20, s15  }
.Ltmp7:
0xfe: {  	_ = 	snop;
	(pc) =	sbr.rel @p0 .LBB2_17-.Ltmp7, $3  }
0xff: {  	_ =	sdelay $0x1  }
0x100: {  	s18 =	simm.s32 $0x0  }
0x101: {  	s19 =	simm.s32 $0x3F0;
	s21 =	simm.s32 $0x1CAE0;
	s17 =	simm.s32 $0x0  }
.LBB2_16:
0x102: {  	v5 =	vld [tilespmem:s21+$0x0];
	_ =	sdelay $0x4  }
0x103: {  	(xrf0) =	vadd.scan.msk.s32 $0xffff, v5;
	_ =	sdelay $0x5  }
0x104: {  	v5, _, _ =	vpop (xrf0)  }
0x105: {  	(v2sf) =	vpush v5, $0xF;
	_ =	sdelay $0xe  }
0x106: {  	s17 =	smov.u32 s20;
	s31 =	spop (v2sf)  }
0x107: {  	s20 =	sadd.s32 s17, s31  }
0x108: {  	p0 =	slt.s32 s20, s15  }
.Ltmp8:
0x109: {  	_ = 	snop;
	(pc) =	sbr.rel @p0 .LBB2_16-.Ltmp8, $2  }
0x10a: {  	_ =	sdelay $0x2  }
0x10b: {  	s19 =	sadd.s32 $0xFFFFFFF0, s19;
	s21 =	sadd.s32 $0xFFFFFFF0, s21  }
.LBB2_17:
0x10c: {  	v5 =	vld [tilespmem:s19+$0x1C700];
	_ =	sdelay $0x4  }
0x10d: {  	v6 =	vperm.xlane v5, v3;
	_ =	sdelay $0x1  }
0x10e: {  	(xrf0) =	vadd.scan.msk.s32 $0xffff, v6;
	_ =	sdelay $0x5  }
0x10f: {  	v6, _, _ =	vpop (xrf0)  }
0x110: {  	v6 =	vperm.xlane v6, v3;
	_ =	sdelay $0x1  }
0x111: {  	v6 =	vadd.s32 s17, v6  }
0x112: {  	vm0 =	vge.s32 v6, s15  }
0x113: {  	v6 =	vsel vm0, $0x1, v1  }
0x114: {  	(xrf0) =	vadd.scan.msk.s32 $0xffff, v6;
	_ =	sdelay $0x5  }
0x115: {  	v6, _, _ =	vpop (xrf0)  }
0x116: {  	(v2sf) =	vpush v6, $0xF;
	_ =	sdelay $0x8  }
0x117: {  	v5 =	vsel vm0, $0x0, v5  }
0x118: {  	(xrf0) =	vadd.scan.msk.s32 $0xffff, v5;
	_ =	sdelay $0x4  }
0x119: {  	s20 =	spop (v2sf)  }
0x11a: {  	v5, _, _ =	vpop (xrf0);
	s28 =	sadd.s32 s20, s19  }
0x11b: {  	(v2sf) =	vpush v5, $0xF;
	s19 =	sshll.u32 s28, $0x4  }
0x11c: {  	v5 =	vld [tilespmem:s19+$0x186F0];
	_ =	sdelay $0x4  }
0x11d: {  	v6 =	vperm.xlane v5, v3;
	_ =	sdelay $0x1  }
0x11e: {  	(xrf0) =	vadd.scan.msk.s32 $0xffff, v6;
	_ =	sdelay $0x5  }
0x11f: {  	v6, _, _ =	vpop (xrf0)  }
0x120: {  	s29 =	spop (v2sf);
	v6 =	vperm.xlane v6, v3  }
0x121: {  	s17 =	sadd.s32 s17, s29  }
0x122: {  	v6 =	vadd.s32 s17, v6  }
0x123: {  	vm0 =	vge.s32 v6, s15  }
0x124: {  	v7 =	vsel vm0, $0x1, v1  }
0x125: {  	(xrf0) =	vadd.scan.msk.s32 $0xffff, v7;
	_ =	sdelay $0x5  }
0x126: {  	v7, _, _ =	vpop (xrf0)  }
0x127: {  	(v2sf) =	vpush v7, $0xF;
	_ =	sdelay $0xe  }
0x128: {  	s30 =	spop (v2sf)  }
0x129: {  	_ =	strace $0x9000004E;
	[tilespmem:$0x18700] =	vst v1  }
0x12a: {  	s21 =	simm.s32 $0x50;
	_ =	strace $0x8000004F  }
0x12b: {  	s18 =	sand.u32 $0x1FFE0, s18;
	v8 =	vld [tilespmem:s21+$0x40]  }
0x12c: {  	v9 =	vld [tilespmem:s18+$0x80]  }
0x12d: {  	s31 =	sadd.s32 s30, s19;
	v10 =	vld [tilespmem:s21+$0xFFFFFFC0]  }
0x12e: {  	s16 =	sshll.u32 s16, $0xE;
	s18 =	sadd.s32 $0xFFFFFFEF, s31;
	v11 =	vld [tilespmem:s21+$0xFFFFFFD0]  }
0x12f: {  	v12 =	vld [tilespmem:s21+$0xFFFFFFE0];
	s16 =	sor.u32 s16, s18  }
0x130: {  	v13 =	vld [tilespmem:s21+$0xFFFFFFF0];
	v7 =	vmov s16;
	v14 =	vshra.s32 v8, $0x4  }
0x131: {  	v15 =	vld [tilespmem:s21+$0x0];
	v16 =	vshra.s32 v9, $0x4;
	vm0 =	veq.s32 v14, v7  }
0x132: {  	v57 =	vshra.s32 v10, $0x4;
	v8 =	vand.u32 $0xF, v8;
	vm1 =	veq.s32 v16, v7  }
0x133: {  	v58 =	vshra.s32 v11, $0x4;
	v9 =	vand.u32 $0xF, v9;
	vm2 =	veq.s32 v57, v7  }
0x134: {  	v59 =	vld [tilespmem:s21+$0x10];
	v10 =	vand.u32 $0xF, v10;
	v60 =	vshra.s32 v12, $0x4;
	vm3 =	veq.s32 v58, v7  }
0x135: {  	v17 =	vld [tilespmem:s21+$0x20];
	v11 =	vand.u32 $0xF, v11;
	v61 =	vshra.s32 v13, $0x4;
	vm4 =	veq.s32 v60, v7  }
0x136: {  	v18 =	vld [tilespmem:s21+$0xFFFFFFB0];
	v12 =	vand.u32 $0xF, v12;
	v62 =	vshra.s32 v15, $0x4;
	vm5 =	veq.s32 v61, v7  }
0x137: {  	v13 =	vand.u32 $0xF, v13;
	vm6 =	veq.s32 v62, v7;
	[tilespmem:v8+s10+$0x0] =	vst.idx.add.s32.msk vm0, v2  }
0x138: {  	v63 =	vand.u32 $0xF, v15;
	[tilespmem:v9+s10+$0x0] =	vst.idx.add.s32.msk vm1, v2  }
0x139: {  	[tilespmem:v10+s10+$0x0] =	vst.idx.add.s32.msk vm2, v2  }
0x13a: {  	v8 =	vmov s15;
	v9 =	vshra.s32 v59, $0x4;
	[tilespmem:v11+s10+$0x0] =	vst.idx.add.s32.msk vm3, v2  }
0x13b: {  	v11 =	vshra.s32 v18, $0x4;
	[tilespmem:v12+s10+$0x0] =	vst.idx.add.s32.msk vm4, v2;
	vm0 =	veq.s32 v9, v7;
	v9 =	vshra.s32 v17, $0x4  }
0x13c: {  	v10 =	vand.u32 $0xF, v18;
	[tilespmem:v13+s10+$0x0] =	vst.idx.add.s32.msk vm5, v2;
	vm2 =	veq.s32 v11, v7;
	vm1 =	veq.s32 v9, v7  }
0x13d: {  	s20 =	simm.s32 $0xF0;
	s19 =	simm.s32 $0xA0;
	s18 =	simm.s32 $0x0;
	[tilespmem:v63+s10+$0x0] =	vst.idx.add.s32.msk vm6, v2;
	v11 =	vand.u32 $0xF, v59;
	v9 =	vand.u32 $0xF, v17;
	vm1 =	vmmov vm1  }
.LBB2_18:
0x13e: {  	s21 =	sand.u32 $0x1FFE0, s19;
	v12 =	vld [tilespmem:s20+$0x40];
	s18 =	sadd.s32 $0xA, s18  }
0x13f: {  	v13 =	vld [tilespmem:s21+$0x80];
	p0 =	slt.u32 s18, $0x1860  }
0x140: {  	v14 =	vld [tilespmem:s20+$0xFFFFFFC0]  }
0x141: {  	v15 =	vld [tilespmem:s20+$0xFFFFFFD0]  }
0x142: {  	v16 =	vld [tilespmem:s20+$0xFFFFFFE0]  }
0x143: {  	v17 =	vld [tilespmem:s20+$0xFFFFFFF0];
	v18 =	vshra.s32 v12, $0x4  }
0x144: {  	v19 =	vld [tilespmem:s20+$0x0];
	v20 =	vshra.s32 v13, $0x4;
	vm3 =	veq.s32 v18, v7  }
0x145: {  	v12 =	vand.u32 $0xF, v12;
	v18 =	vshra.s32 v14, $0x4;
	v21 =	vld [tilespmem:s20+$0x10];
	vm4 =	veq.s32 v20, v7  }
0x146: {  	v13 =	vand.u32 $0xF, v13;
	vm5 =	veq.s32 v18, v7;
	v18 =	vshra.s32 v15, $0x4;
	v20 =	vld [tilespmem:s20+$0x20]  }
0x147: {  	v14 =	vand.u32 $0xF, v14;
	v22 =	vld [tilespmem:s20+$0xFFFFFFB0];
	vm6 =	veq.s32 v18, v7;
	v18 =	vshra.s32 v16, $0x4  }
0x148: {  	v15 =	vand.u32 $0xF, v15;
	vm7 =	veq.s32 v18, v7;
	v18 =	vshra.s32 v17, $0x4;
	[tilespmem:v10+s10+$0x0] =	vst.idx.add.s32.msk vm2, v2  }
0x149: {  	v16 =	vand.u32 $0xF, v16;
	vm8 =	veq.s32 v18, v7;
	v10 =	vshra.s32 v19, $0x4;
	[tilespmem:v11+s10+$0x0] =	vst.idx.add.s32.msk vm0, v2  }
0x14a: {  	v17 =	vand.u32 $0xF, v17;
	vm9 =	veq.s32 v10, v7;
	v10 =	vshra.s32 v21, $0x4;
	[tilespmem:v12+s10+$0x0] =	vst.idx.add.s32.msk vm3, v2  }
0x14b: {  	v12 =	vand.u32 $0xF, v19;
	vm0 =	veq.s32 v10, v7;
	v11 =	vshra.s32 v20, $0x4;
	[tilespmem:v13+s10+$0x0] =	vst.idx.add.s32.msk vm4, v2  }
0x14c: {  	v13 =	vshra.s32 v22, $0x4;
	v10 =	vand.u32 $0xF, v22;
	[tilespmem:v14+s10+$0x0] =	vst.idx.add.s32.msk vm5, v2;
	vm3 =	veq.s32 v11, v7  }
.Ltmp9:
0x14d: {  	v11 =	vand.u32 $0xF, v21;
	vm2 =	veq.s32 v13, v7;
	[tilespmem:v15+s10+$0x0] =	vst.idx.add.s32.msk vm6, v2;
	v13 =	vand.u32 $0xF, v20;
	(pc) =	sbr.rel @p0 .LBB2_18-.Ltmp9, $4  }
0x14e: {  	[tilespmem:v16+s10+$0x0] =	vst.idx.add.s32.msk vm7, v2  }
0x14f: {  	[tilespmem:v17+s10+$0x0] =	vst.idx.add.s32.msk vm8, v2  }
0x150: {  	[tilespmem:v12+s10+$0x0] =	vst.idx.add.s32.msk vm9, v2  }
0x151: {  	s19 =	sadd.s32 $0xA0, s19;
	s20 =	sadd.s32 $0xA0, s20;
	[tilespmem:v9+s10+$0x0] =	vst.idx.add.s32.msk vm1, v2;
	v9 =	vmov v13;
	vm1 =	vmmov vm3  }
0x152: {  	vm3 =	vge.s32 v6, v8  }
0x153: {  	v5 =	vsel vm3, $0x0, v5  }
0x154: {  	(xrf0) =	vadd.scan.msk.s32 $0xffff, v5;
	_ =	sdelay $0x5  }
0x155: {  	v5, _, _ =	vpop (xrf0)  }
0x156: {  	(v2sf) =	vpush v5, $0xF;
	_ =	sdelay $0xc  }
0x157: {  	[tilespmem:v10+s10+$0x0] =	vst.idx.add.s32.msk vm2, v2  }
0x158: {  	[tilespmem:v11+s10+$0x0] =	vst.idx.add.s32.msk vm0, v2  }
0x159: {  	[tilespmem:v9+s10+$0x0] =	vst.idx.add.s32.msk vm1, v2;
	s18 =	spop (v2sf)  }
0x15a: {  	_ =	strace $0x9000004F  }
0x15b: {  	_ =	strace $0x80000050  }
0x15c: {  	v5 =	vld [tilespmem:$0x18700];
	_ =	sdelay $0x4  }
0x15d: {  	v5 =	vperm.xlane v5, v3;
	_ =	sdelay $0x1  }
0x15e: {  	(xrf0) =	vadd.scan.msk.s32 $0xffff, v5;
	_ =	sdelay $0x5  }
0x15f: {  	v5, _, _ =	vpop (xrf0)  }
0x160: {  	s17 =	sadd.s32 s18, s17;
	v5 =	vperm.xlane v5, v3  }
0x161: {  	s15 =	ssub.s32 s15, s17  }
0x162: {  	vm14 =	vge.s32 v5, s15  }
0x163: {  	v5 =	vsel vm14, $0x1, v1  }
0x164: {  	(xrf0) =	vadd.scan.msk.s32 $0xffff, v5;
	_ =	sdelay $0x5  }
0x165: {  	v5, _, _ =	vpop (xrf0)  }
0x166: {  	(v2sf) =	vpush v5, $0xF;
	_ =	sdelay $0xb  }
0x167: {  	v5 =	vmov s14;
	s14 =	sadd.s32 $0x1, s14  }
0x168: {  	p0 =	sne.s32 s14, $0x4  }
.Ltmp10:
0x169: {  	_ = 	snop;
	(pc) =	sbr.rel @p0 .LBB2_2-.Ltmp10, $4  }
0x16a: {  	s31 =	spop (v2sf)  }
0x16b: {  	s16 =	sshll.u32 s16, $0x4;
	s15 =	sadd.s32 $0xFFFFFFFF, s31  }
0x16c: {  	vm15 =	veq.s32 v5, v0;
	s15 =	sor.u32 s16, s15  }
0x16d: {  	_ =	strace $0x90000050;
	v4 =	vsel vm15, s15, v4  }
0x16e: {  	v5 =	vshra.s32 v4, $0x1F  }
0x16f: {  	s13 =	sadd.s32 $0x1, s13;
	v5 =	vand.u32 $0x7FFFFFFF, v5  }
0x170: {  	p0 =	sne.s32 s13, s6;
	v4 =	vxor.u32 v4, v5  }
.Ltmp11:
0x171: {  	[tilespmem:$0x1CB00] =	vst v4;
	(pc) =	sbr.rel @p0 .LBB2_1-.Ltmp11, $4  }
0x172: {  	[hbm4b:s5+s1] =	stream.linear.scatter [tilespmem:s12], [sflag:$0x1], $0x80, $0x38;
	[tilespmem:$0x1CB80] =	vst v63  }
0x173: {  	_ =	swait.ge [sflag:s9], $0x80  }
0x174: {  	[sflag:s9] =	ssyncset.done $0x0  }
0x175: {  	[sflag:s9] =	ssyncadd.s32 $0xFFFFFF80  }
0x176: {  	_ =	sfence.sel $0x180000  }
0x177: {  	[bflag:$0x0] =	sbarrier.arrive $0xFFFF  }
0x178: {  	p0 =	sne.s32 s2, $0x0;
	_ =	strace $0x90000047  }
0x179: {  	s0 =	sadd.s32 @!p0 $0x100000, s0;
	[bflag:$0x2] =	sbarrier.arrive $0xFFFF  }
0x17a: {  	[sflag:s0] =	ssyncadd.tile.s32 @!p0 $0x1;
	_ =	shalt  }
.Lfunc_end2:
_tile_overlayer_lowered:
.L_overlay_start_2:
0x17b: {  	(tag) =	ssettag $0x2  }
0x17c: {  	s0 =	rddreg [dreg:$0x0];
	s2 =	stileid.u32  }
0x17d: {  	s1 =	rddreg [dreg:$0x1];
	p0 =	sne.s32 s2, $0x0  }
0x17e: {  	s3 =	rddreg [dreg:$0x2];
	[bflag:$0x3] =	sbarrier.arrive $0xFFFF;
	s2 =	simm.s32 @!p0 $0x1C01  }
0x17f: {  	[timem:s3], [sflag:s2] =	dma.local @!p0 [hbm:s0], s1  }
0x180: {  	s0 =	simm.s32 @!p0 $0x1  }
0x181: {  	_ =	swait.ge @!p0 [sflag:s0], s1  }
0x182: {  	s1 =	ssub.s32 @!p0 $0x0, s1;
	[sflag:s0] =	ssyncset.done @!p0 $0x0  }
0x183: {  	[sflag:s0] =	ssyncadd.s32 @!p0 s1  }
0x184: {  	[bflag:$0x3] =	sbarrier.arrive $0xFFFF  }
0x185: {  	_ =	shalt  }

</sc_bundles>
